<compile_context>
chip_gen: v7x
topology: tpu7x:2x2x1
jax: 0.10.2.dev20260603
libtpu: 0.0.44.dev20260713+nightly
codegen_flags: <defaults>
</compile_context>

<pallas_src>
import functools

import jax
import jax.numpy as jnp
from jax import lax
from jax.experimental import pallas as pl
from jax.experimental.pallas import tpu as pltpu
from jax.experimental.pallas import tpu_sc as plsc

B = 16384
EMB = 16
NROW = 1000000
SLOTS = 8
LINE = SLOTS * EMB

_NC = 2
_NS = 16
_NW = _NC * _NS
_BPW = B // _NW
_CHUNK = 128
_NCHUNK = _BPW // _CHUNK



_TCOLS = 32768
_TSUB = _TCOLS // SLOTS
_TGRID = -(-NROW // _TCOLS)
NLINE = _TGRID * _TSUB



def _one_table(w, gg_ref):
    t = w.astype(jnp.bfloat16).T
    acc = lax.dot_general(t[0:_TSUB], gg_ref[0:EMB, :],
                          (((1,), (0,)), ((), ())),
                          preferred_element_type=jnp.float32)
    for s in range(1, SLOTS):
        acc = acc + lax.dot_general(
            t[s * _TSUB:(s + 1) * _TSUB], gg_ref[s * EMB:(s + 1) * EMB, :],
            (((1,), (0,)), ((), ())), preferred_element_type=jnp.float32)
    return acc


def _lines_body(wt_ref, ht_ref, ggu_ref, ggv_ref, ou_ref, ov_ref):
    ou_ref[...] = _one_table(wt_ref[...], ggu_ref)
    ov_ref[...] = _one_table(ht_ref[...], ggv_ref)


def _to_lines(wt, ht, ggu, ggv):
    return pl.pallas_call(
        _lines_body,
        grid=(_TGRID,),
        in_specs=[pl.BlockSpec((EMB, _TCOLS), lambda i: (0, i)),
                  pl.BlockSpec((EMB, _TCOLS), lambda i: (0, i)),
                  pl.BlockSpec((LINE, LINE), lambda i: (0, 0)),
                  pl.BlockSpec((LINE, LINE), lambda i: (0, 0))],
        out_specs=[pl.BlockSpec((_TSUB, LINE), lambda i: (i, 0)),
                   pl.BlockSpec((_TSUB, LINE), lambda i: (i, 0))],
        out_shape=[jax.ShapeDtypeStruct((NLINE, LINE), jnp.float32),
                   jax.ShapeDtypeStruct((NLINE, LINE), jnp.float32)],
    )(wt, ht, ggu, ggv)



def _sc_gather_body(uq_hbm, vq_hbm, wq_hbm, hq_hbm, ug_out, vg_out,
                    uqv, vqv, bufs, gsems, wsems):
    wid = lax.axis_index("s") * _NC + lax.axis_index("c")
    base = wid * _BPW
    row0 = wid * _NCHUNK
    cu = pltpu.async_copy(uq_hbm.at[pl.ds(row0, _NCHUNK)], uqv, gsems[0])
    cv = pltpu.async_copy(vq_hbm.at[pl.ds(row0, _NCHUNK)], vqv, gsems[1])
    cu.wait()
    cv.wait()
    jobs = []
    for c in range(_NCHUNK):
        jobs.append((uqv.at[c], wq_hbm, ug_out.at[pl.ds(base + c * _CHUNK, _CHUNK)]))
        jobs.append((vqv.at[c], hq_hbm, vg_out.at[pl.ds(base + c * _CHUNK, _CHUNK)]))
    nbuf = len(bufs)
    gd = [None] * len(jobs)
    wd = [None] * len(jobs)
    for i, (qr, tab, dst) in enumerate(jobs):
        s = i % nbuf
        if i >= nbuf:
            wd[i - nbuf].wait()
        gd[i] = pltpu.async_copy(tab.at[qr], bufs[s], gsems[s])
        if i >= 1:
            prev = i - 1
            gd[prev].wait()
            wd[prev] = pltpu.async_copy(bufs[prev % nbuf], jobs[prev][2],
                                        wsems[prev % nbuf])
    last = len(jobs) - 1
    gd[last].wait()
    wd[last] = pltpu.async_copy(bufs[last % nbuf], jobs[last][2],
                                wsems[last % nbuf])
    for i in range(max(0, len(jobs) - nbuf), len(jobs)):
        wd[i].wait()


_NBUF = 4

_sc_gather = functools.partial(
    pl.kernel,
    mesh=plsc.VectorSubcoreMesh(core_axis_name="c", subcore_axis_name="s"),
    out_type=[jax.ShapeDtypeStruct((B, LINE), jnp.float32),
              jax.ShapeDtypeStruct((B, LINE), jnp.float32)],
    scratch_types=[pltpu.VMEM((_NCHUNK, _CHUNK), jnp.int32),
                   pltpu.VMEM((_NCHUNK, _CHUNK), jnp.int32),
                   [pltpu.VMEM((_CHUNK, LINE), jnp.float32)
                    for _ in range(_NBUF)],
                   [pltpu.SemaphoreType.DMA for _ in range(_NBUF)],
                   [pltpu.SemaphoreType.DMA for _ in range(_NBUF)]],
)(_sc_gather_body)



_BLK = 2048


def _mlp_body(ug_ref, vg_ref, ur_ref, vr_ref, w2_ref, b2_ref, o_ref):
    ur = ur_ref[...]
    vr = vr_ref[...]
    ug = ug_ref[...]
    vg = vg_ref[...]
    h = jnp.zeros((_BLK, EMB), jnp.float32)
    for k in range(SLOTS):
        h = h + jnp.where(ur == k, ug[:, k * EMB:(k + 1) * EMB], 0.0)
        h = h + jnp.where(vr == k, vg[:, k * EMB:(k + 1) * EMB], 0.0)
    h = jnp.maximum(h, 0.0)
    logit = jnp.sum(h * w2_ref[...], axis=1) + b2_ref[0]
    o_ref[...] = 1.0 / (1.0 + jnp.exp(-logit))


def _mlp(ug, vg, ur, vr, w2, b2):
    return pl.pallas_call(
        _mlp_body,
        grid=(B // _BLK,),
        in_specs=[
            pl.BlockSpec((_BLK, LINE), lambda i: (i, 0)),
            pl.BlockSpec((_BLK, LINE), lambda i: (i, 0)),
            pl.BlockSpec((_BLK, 1), lambda i: (i, 0)),
            pl.BlockSpec((_BLK, 1), lambda i: (i, 0)),
            pl.BlockSpec((1, EMB), lambda i: (0, 0)),
            pl.BlockSpec(memory_space=pltpu.SMEM),
        ],
        out_specs=pl.BlockSpec((_BLK,), lambda i: (i,)),
        out_shape=jax.ShapeDtypeStruct((B,), jnp.float32),
    )(ug, vg, ur, vr, w2, b2)


def kernel(x, W, H, W1, W2, b2):
    uidx = x[:, 0]
    vidx = x[:, 1]
    uline = (uidx // _TCOLS) * _TSUB + (uidx % _TSUB)
    vline = (vidx // _TCOLS) * _TSUB + (vidx % _TSUB)
    uq = uline.reshape(_NW * _NCHUNK, _CHUNK)
    vq = vline.reshape(_NW * _NCHUNK, _CHUNK)
    ur = ((uidx % _TCOLS) // _TSUB)[:, None]
    vr = ((vidx % _TCOLS) // _TSUB)[:, None]
    eye8 = jnp.eye(SLOTS, dtype=jnp.float32)
    ggu = jnp.kron(eye8, W1[:, :EMB].T).astype(jnp.bfloat16)
    ggv = jnp.kron(eye8, W1[:, EMB:].T).astype(jnp.bfloat16)
    wq, hq = _to_lines(W.T, H.T, ggu, ggv)
    ug, vg = _sc_gather(uq, vq, wq, hq)
    return _mlp(ug, vg, ur, vr, W2, b2)

# --- scband reference (transcript-rebuilt; emitter-appended) ---
"""Pipeline reference for scband-mf-multi-ips-72172630442554 (READ-ONLY COPY).

The authoritative reference and input builder live on the scoring server;
editing this copy changes nothing except your own understanding.
"""

import jax, jax.numpy as jnp
import numpy as np

NUM_USERS = 1000000
NUM_ITEMS = 1000000
EMB = 16
B = 16384


def setup_inputs(seed: int = 0) -> dict:
    key = jax.random.key(seed)
    ks = jax.random.split(key, 6)
    x = jax.random.randint(ks[0], (B, 2), 0, min(NUM_USERS, NUM_ITEMS), dtype=jnp.int32)
    # Embedding tables (torch nn.Embedding default init: N(0,1))
    W = jax.random.normal(ks[1], (NUM_USERS, EMB), dtype=jnp.float32)
    H = jax.random.normal(ks[2], (NUM_ITEMS, EMB), dtype=jnp.float32)
    # prediction_model MLP params (torch Linear init: U(-1/sqrt(fan_in), 1/sqrt(fan_in)))
    lim1 = 1.0 / np.sqrt(2 * EMB)
    W1 = jax.random.uniform(ks[3], (EMB, 2 * EMB), minval=-lim1, maxval=lim1, dtype=jnp.float32)
    lim2 = 1.0 / np.sqrt(EMB)
    W2 = jax.random.uniform(ks[4], (1, EMB), minval=-lim2, maxval=lim2, dtype=jnp.float32)
    b2 = jax.random.uniform(ks[5], (1,), minval=-lim2, maxval=lim2, dtype=jnp.float32)
    return {"x": x, "W": W, "H": H, "W1": W1, "W2": W2, "b2": b2}


def reference(x, W, H, W1, W2, b2):
    # Embedding_Sharing.forward: gather user/item embeddings and concat
    user_idx = x[:, 0]
    item_idx = x[:, 1]
    U_emb = jnp.take(W, user_idx, axis=0)
    V_emb = jnp.take(H, item_idx, axis=0)
    z_emb = jnp.concatenate([U_emb, V_emb], axis=1)  # [B, 2*EMB]
    # prediction_model MLP: linear(no bias) -> relu -> linear(bias) -> sigmoid -> squeeze
    h = jnp.maximum(z_emb @ W1.T, 0.0)  # [B, EMB]
    out = jax.nn.sigmoid(h @ W2.T + b2)  # [B, 1]
    return jnp.squeeze(out, axis=1)  # [B]

if __name__ == "__main__":
    import jax
    _d = setup_inputs()
    print(jax.jit(kernel)(*tuple(_d.values())))

</pallas_src>

<mosaic_0001>
#map = affine_map<(d0, d1) -> (0, 0)>
module attributes {stable_mosaic.version = 14 : i64} {
  func.func @_sc_gather_body(%arg0: i32, %arg1: i32, %arg2: memref<128x128xi32, #tpu.memory_space<hbm>>, %arg3: memref<128x128xi32, #tpu.memory_space<hbm>>, %arg4: memref<126976x128xf32, #tpu.memory_space<hbm>>, %arg5: memref<126976x128xf32, #tpu.memory_space<hbm>>, %arg6: memref<16384x128xf32, #tpu.memory_space<hbm>>, %arg7: memref<16384x128xf32, #tpu.memory_space<hbm>>, %arg8: memref<4x128xi32, #tpu.memory_space<vmem>>, %arg9: memref<4x128xi32, #tpu.memory_space<vmem>>, %arg10: memref<128x128xf32, #tpu.memory_space<vmem>>, %arg11: memref<128x128xf32, #tpu.memory_space<vmem>>, %arg12: memref<128x128xf32, #tpu.memory_space<vmem>>, %arg13: memref<128x128xf32, #tpu.memory_space<vmem>>, %arg14: memref<!tpu.dma_semaphore, #tpu.memory_space<semaphore_mem>>, %arg15: memref<!tpu.dma_semaphore, #tpu.memory_space<semaphore_mem>>, %arg16: memref<!tpu.dma_semaphore, #tpu.memory_space<semaphore_mem>>, %arg17: memref<!tpu.dma_semaphore, #tpu.memory_space<semaphore_mem>>, %arg18: memref<!tpu.dma_semaphore, #tpu.memory_space<semaphore_mem>>, %arg19: memref<!tpu.dma_semaphore, #tpu.memory_space<semaphore_mem>>, %arg20: memref<!tpu.dma_semaphore, #tpu.memory_space<semaphore_mem>>, %arg21: memref<!tpu.dma_semaphore, #tpu.memory_space<semaphore_mem>>) attributes {dimension_semantics = [#tpu.dimension_semantics<core_parallel>, #tpu.dimension_semantics<subcore_parallel>], iteration_bounds = array<i64: 2, 16>, scalar_prefetch = 0 : i64, scratch_operands = 14 : i64, tpu.core_type = #tpu.core_type<sc_vector_subcore>, window_params = [{transform_indices = #map}, {transform_indices = #map}, {transform_indices = #map}, {transform_indices = #map}, {transform_indices = #map}, {transform_indices = #map}]} {
    %mul3A = arith.constant 2 : i32
    %mul3A_0 = arith.muli %arg1, %mul3A : i32
    %add3A = arith.addi %mul3A_0, %arg0 : i32
    %mul3A_1 = arith.constant 512 : i32
    %mul3A_2 = arith.muli %add3A, %mul3A_1 : i32
    %mul3A_3 = arith.constant 4 : i32
    %mul3A_4 = arith.muli %add3A, %mul3A_3 : i32
    %dma_start3A = arith.constant 0 : i32
    %dma_start3A_5 = tpu.memref_slice %arg2[%mul3A_4, %dma_start3A] : memref<128x128xi32, #tpu.memory_space<hbm>> -> memref<4x128xi32, #tpu.memory_space<hbm>>
    %dma_start3A_6 = arith.constant 0 : i32
    %dma_start3A_7 = tpu.memref_slice %arg2[%mul3A_4, %dma_start3A_6] : memref<128x128xi32, #tpu.memory_space<hbm>> -> memref<4x128xi32, #tpu.memory_space<hbm>>
    tpu.enqueue_dma source(%dma_start3A_7 : memref<4x128xi32, #tpu.memory_space<hbm>>) target(%arg8 : memref<4x128xi32, #tpu.memory_space<vmem>>) target_semaphore(%arg14 : memref<!tpu.dma_semaphore, #tpu.memory_space<semaphore_mem>>)
    %dma_start3A_8 = arith.constant 0 : i32
    %dma_start3A_9 = tpu.memref_slice %arg3[%mul3A_4, %dma_start3A_8] : memref<128x128xi32, #tpu.memory_space<hbm>> -> memref<4x128xi32, #tpu.memory_space<hbm>>
    %dma_start3A_10 = arith.constant 0 : i32
    %dma_start3A_11 = tpu.memref_slice %arg3[%mul3A_4, %dma_start3A_10] : memref<128x128xi32, #tpu.memory_space<hbm>> -> memref<4x128xi32, #tpu.memory_space<hbm>>
    tpu.enqueue_dma source(%dma_start3A_11 : memref<4x128xi32, #tpu.memory_space<hbm>>) target(%arg9 : memref<4x128xi32, #tpu.memory_space<vmem>>) target_semaphore(%arg15 : memref<!tpu.dma_semaphore, #tpu.memory_space<semaphore_mem>>)
    %dma_wait3A = arith.constant 0 : i32
    %dma_wait3A_12 = tpu.memref_slice %arg2[%mul3A_4, %dma_wait3A] : memref<128x128xi32, #tpu.memory_space<hbm>> -> memref<4x128xi32, #tpu.memory_space<hbm>>
    %dma_wait3A_13 = arith.constant 0 : i32
    %dma_wait3A_14 = tpu.memref_slice %arg2[%mul3A_4, %dma_wait3A_13] : memref<128x128xi32, #tpu.memory_space<hbm>> -> memref<4x128xi32, #tpu.memory_space<hbm>>
    tpu.wait_dma2 semaphore(%arg14 : memref<!tpu.dma_semaphore, #tpu.memory_space<semaphore_mem>>) src(%dma_wait3A_14 : memref<4x128xi32, #tpu.memory_space<hbm>>) dst(%arg8 : memref<4x128xi32, #tpu.memory_space<vmem>>)
    %dma_wait3A_15 = arith.constant 0 : i32
    %dma_wait3A_16 = tpu.memref_slice %arg3[%mul3A_4, %dma_wait3A_15] : memref<128x128xi32, #tpu.memory_space<hbm>> -> memref<4x128xi32, #tpu.memory_space<hbm>>
    %dma_wait3A_17 = arith.constant 0 : i32
    %dma_wait3A_18 = tpu.memref_slice %arg3[%mul3A_4, %dma_wait3A_17] : memref<128x128xi32, #tpu.memory_space<hbm>> -> memref<4x128xi32, #tpu.memory_space<hbm>>
    tpu.wait_dma2 semaphore(%arg15 : memref<!tpu.dma_semaphore, #tpu.memory_space<semaphore_mem>>) src(%dma_wait3A_18 : memref<4x128xi32, #tpu.memory_space<hbm>>) dst(%arg9 : memref<4x128xi32, #tpu.memory_space<vmem>>)
    %add3A_19 = arith.constant 0 : i32
    %add3A_20 = arith.addi %mul3A_2, %add3A_19 : i32
    %add3A_21 = arith.constant 0 : i32
    %add3A_22 = arith.addi %mul3A_2, %add3A_21 : i32
    %add3A_23 = arith.constant 128 : i32
    %add3A_24 = arith.addi %mul3A_2, %add3A_23 : i32
    %add3A_25 = arith.constant 128 : i32
    %add3A_26 = arith.addi %mul3A_2, %add3A_25 : i32
    %add3A_27 = arith.constant 256 : i32
    %add3A_28 = arith.addi %mul3A_2, %add3A_27 : i32
    %add3A_29 = arith.constant 256 : i32
    %add3A_30 = arith.addi %mul3A_2, %add3A_29 : i32
    %add3A_31 = arith.constant 384 : i32
    %add3A_32 = arith.addi %mul3A_2, %add3A_31 : i32
    %add3A_33 = arith.constant 384 : i32
    %add3A_34 = arith.addi %mul3A_2, %add3A_33 : i32
    %dma_start3A_35 = arith.constant 0 : i32
    %dma_start3A_36 = arith.constant 0 : i32
    %dma_start3A_37 = tpu.memref_slice %arg8[%dma_start3A_35, %dma_start3A_36] : memref<4x128xi32, #tpu.memory_space<vmem>> -> memref<1x128xi32, #tpu.memory_space<vmem>>
    %dma_start3A_38 = tpu.memref_squeeze %dma_start3A_37 : memref<1x128xi32, #tpu.memory_space<vmem>> -> memref<128xi32, #tpu.memory_space<vmem>>
    %dma_start3A_39 = arith.constant 0 : i32
    %dma_start3A_40 = arith.constant 0 : i32
    %dma_start3A_41 = tpu.memref_slice %arg4[%dma_start3A_39, %dma_start3A_40] : memref<126976x128xf32, #tpu.memory_space<hbm>> -> memref<126976x128xf32, #tpu.memory_space<hbm>>
    tpu.enqueue_indirect_dma source(%dma_start3A_41 : memref<126976x128xf32, #tpu.memory_space<hbm>>) target(%arg10 : memref<128x128xf32, #tpu.memory_space<vmem>>) offsets(%dma_start3A_38 : memref<128xi32, #tpu.memory_space<vmem>>) semaphore(%arg14 : memref<!tpu.dma_semaphore, #tpu.memory_space<semaphore_mem>>)
    %dma_start3A_42 = arith.constant 0 : i32
    %dma_start3A_43 = arith.constant 0 : i32
    %dma_start3A_44 = tpu.memref_slice %arg9[%dma_start3A_42, %dma_start3A_43] : memref<4x128xi32, #tpu.memory_space<vmem>> -> memref<1x128xi32, #tpu.memory_space<vmem>>
    %dma_start3A_45 = tpu.memref_squeeze %dma_start3A_44 : memref<1x128xi32, #tpu.memory_space<vmem>> -> memref<128xi32, #tpu.memory_space<vmem>>
    %dma_start3A_46 = arith.constant 0 : i32
    %dma_start3A_47 = arith.constant 0 : i32
    %dma_start3A_48 = tpu.memref_slice %arg5[%dma_start3A_46, %dma_start3A_47] : memref<126976x128xf32, #tpu.memory_space<hbm>> -> memref<126976x128xf32, #tpu.memory_space<hbm>>
    tpu.enqueue_indirect_dma source(%dma_start3A_48 : memref<126976x128xf32, #tpu.memory_space<hbm>>) target(%arg11 : memref<128x128xf32, #tpu.memory_space<vmem>>) offsets(%dma_start3A_45 : memref<128xi32, #tpu.memory_space<vmem>>) semaphore(%arg15 : memref<!tpu.dma_semaphore, #tpu.memory_space<semaphore_mem>>)
    %dma_wait3A_49 = arith.constant 0 : i32
    %dma_wait3A_50 = arith.constant 0 : i32
    %dma_wait3A_51 = tpu.memref_slice %arg8[%dma_wait3A_49, %dma_wait3A_50] : memref<4x128xi32, #tpu.memory_space<vmem>> -> memref<1x128xi32, #tpu.memory_space<vmem>>
    %dma_wait3A_52 = tpu.memref_squeeze %dma_wait3A_51 : memref<1x128xi32, #tpu.memory_space<vmem>> -> memref<128xi32, #tpu.memory_space<vmem>>
    %dma_wait3A_53 = arith.constant 0 : i32
    %dma_wait3A_54 = arith.constant 0 : i32
    %dma_wait3A_55 = tpu.memref_slice %arg4[%dma_wait3A_53, %dma_wait3A_54] : memref<126976x128xf32, #tpu.memory_space<hbm>> -> memref<126976x128xf32, #tpu.memory_space<hbm>>
    tpu.wait_indirect_dma semaphore(%arg14 : memref<!tpu.dma_semaphore, #tpu.memory_space<semaphore_mem>>) src(%dma_wait3A_55 : memref<126976x128xf32, #tpu.memory_space<hbm>>) dst(%arg10 : memref<128x128xf32, #tpu.memory_space<vmem>>)
    %dma_start3A_56 = arith.constant 0 : i32
    %dma_start3A_57 = tpu.memref_slice %arg6[%add3A_20, %dma_start3A_56] : memref<16384x128xf32, #tpu.memory_space<hbm>> -> memref<128x128xf32, #tpu.memory_space<hbm>>
    %dma_start3A_58 = arith.constant 0 : i32
    %dma_start3A_59 = tpu.memref_slice %arg6[%add3A_20, %dma_start3A_58] : memref<16384x128xf32, #tpu.memory_space<hbm>> -> memref<128x128xf32, #tpu.memory_space<hbm>>
    tpu.enqueue_dma source(%arg10 : memref<128x128xf32, #tpu.memory_space<vmem>>) target(%dma_start3A_59 : memref<128x128xf32, #tpu.memory_space<hbm>>) target_semaphore(%arg18 : memref<!tpu.dma_semaphore, #tpu.memory_space<semaphore_mem>>)
    %dma_start3A_60 = arith.constant 1 : i32
    %dma_start3A_61 = arith.constant 0 : i32
    %dma_start3A_62 = tpu.memref_slice %arg8[%dma_start3A_60, %dma_start3A_61] : memref<4x128xi32, #tpu.memory_space<vmem>> -> memref<1x128xi32, #tpu.memory_space<vmem>>
    %dma_start3A_63 = tpu.memref_squeeze %dma_start3A_62 : memref<1x128xi32, #tpu.memory_space<vmem>> -> memref<128xi32, #tpu.memory_space<vmem>>
    %dma_start3A_64 = arith.constant 0 : i32
    %dma_start3A_65 = arith.constant 0 : i32
    %dma_start3A_66 = tpu.memref_slice %arg4[%dma_start3A_64, %dma_start3A_65] : memref<126976x128xf32, #tpu.memory_space<hbm>> -> memref<126976x128xf32, #tpu.memory_space<hbm>>
    tpu.enqueue_indirect_dma source(%dma_start3A_66 : memref<126976x128xf32, #tpu.memory_space<hbm>>) target(%arg12 : memref<128x128xf32, #tpu.memory_space<vmem>>) offsets(%dma_start3A_63 : memref<128xi32, #tpu.memory_space<vmem>>) semaphore(%arg16 : memref<!tpu.dma_semaphore, #tpu.memory_space<semaphore_mem>>)
    %dma_wait3A_67 = arith.constant 0 : i32
    %dma_wait3A_68 = arith.constant 0 : i32
    %dma_wait3A_69 = tpu.memref_slice %arg9[%dma_wait3A_67, %dma_wait3A_68] : memref<4x128xi32, #tpu.memory_space<vmem>> -> memref<1x128xi32, #tpu.memory_space<vmem>>
    %dma_wait3A_70 = tpu.memref_squeeze %dma_wait3A_69 : memref<1x128xi32, #tpu.memory_space<vmem>> -> memref<128xi32, #tpu.memory_space<vmem>>
    %dma_wait3A_71 = arith.constant 0 : i32
    %dma_wait3A_72 = arith.constant 0 : i32
    %dma_wait3A_73 = tpu.memref_slice %arg5[%dma_wait3A_71, %dma_wait3A_72] : memref<126976x128xf32, #tpu.memory_space<hbm>> -> memref<126976x128xf32, #tpu.memory_space<hbm>>
    tpu.wait_indirect_dma semaphore(%arg15 : memref<!tpu.dma_semaphore, #tpu.memory_space<semaphore_mem>>) src(%dma_wait3A_73 : memref<126976x128xf32, #tpu.memory_space<hbm>>) dst(%arg11 : memref<128x128xf32, #tpu.memory_space<vmem>>)
    %dma_start3A_74 = arith.constant 0 : i32
    %dma_start3A_75 = tpu.memref_slice %arg7[%add3A_22, %dma_start3A_74] : memref<16384x128xf32, #tpu.memory_space<hbm>> -> memref<128x128xf32, #tpu.memory_space<hbm>>
    %dma_start3A_76 = arith.constant 0 : i32
    %dma_start3A_77 = tpu.memref_slice %arg7[%add3A_22, %dma_start3A_76] : memref<16384x128xf32, #tpu.memory_space<hbm>> -> memref<128x128xf32, #tpu.memory_space<hbm>>
    tpu.enqueue_dma source(%arg11 : memref<128x128xf32, #tpu.memory_space<vmem>>) target(%dma_start3A_77 : memref<128x128xf32, #tpu.memory_space<hbm>>) target_semaphore(%arg19 : memref<!tpu.dma_semaphore, #tpu.memory_space<semaphore_mem>>)
    %dma_start3A_78 = arith.constant 1 : i32
    %dma_start3A_79 = arith.constant 0 : i32
    %dma_start3A_80 = tpu.memref_slice %arg9[%dma_start3A_78, %dma_start3A_79] : memref<4x128xi32, #tpu.memory_space<vmem>> -> memref<1x128xi32, #tpu.memory_space<vmem>>
    %dma_start3A_81 = tpu.memref_squeeze %dma_start3A_80 : memref<1x128xi32, #tpu.memory_space<vmem>> -> memref<128xi32, #tpu.memory_space<vmem>>
    %dma_start3A_82 = arith.constant 0 : i32
    %dma_start3A_83 = arith.constant 0 : i32
    %dma_start3A_84 = tpu.memref_slice %arg5[%dma_start3A_82, %dma_start3A_83] : memref<126976x128xf32, #tpu.memory_space<hbm>> -> memref<126976x128xf32, #tpu.memory_space<hbm>>
    tpu.enqueue_indirect_dma source(%dma_start3A_84 : memref<126976x128xf32, #tpu.memory_space<hbm>>) target(%arg13 : memref<128x128xf32, #tpu.memory_space<vmem>>) offsets(%dma_start3A_81 : memref<128xi32, #tpu.memory_space<vmem>>) semaphore(%arg17 : memref<!tpu.dma_semaphore, #tpu.memory_space<semaphore_mem>>)
    %dma_wait3A_85 = arith.constant 1 : i32
    %dma_wait3A_86 = arith.constant 0 : i32
    %dma_wait3A_87 = tpu.memref_slice %arg8[%dma_wait3A_85, %dma_wait3A_86] : memref<4x128xi32, #tpu.memory_space<vmem>> -> memref<1x128xi32, #tpu.memory_space<vmem>>
    %dma_wait3A_88 = tpu.memref_squeeze %dma_wait3A_87 : memref<1x128xi32, #tpu.memory_space<vmem>> -> memref<128xi32, #tpu.memory_space<vmem>>
    %dma_wait3A_89 = arith.constant 0 : i32
    %dma_wait3A_90 = arith.constant 0 : i32
    %dma_wait3A_91 = tpu.memref_slice %arg4[%dma_wait3A_89, %dma_wait3A_90] : memref<126976x128xf32, #tpu.memory_space<hbm>> -> memref<126976x128xf32, #tpu.memory_space<hbm>>
    tpu.wait_indirect_dma semaphore(%arg16 : memref<!tpu.dma_semaphore, #tpu.memory_space<semaphore_mem>>) src(%dma_wait3A_91 : memref<126976x128xf32, #tpu.memory_space<hbm>>) dst(%arg12 : memref<128x128xf32, #tpu.memory_space<vmem>>)
    %dma_start3A_92 = arith.constant 0 : i32
    %dma_start3A_93 = tpu.memref_slice %arg6[%add3A_24, %dma_start3A_92] : memref<16384x128xf32, #tpu.memory_space<hbm>> -> memref<128x128xf32, #tpu.memory_space<hbm>>
    %dma_start3A_94 = arith.constant 0 : i32
    %dma_start3A_95 = tpu.memref_slice %arg6[%add3A_24, %dma_start3A_94] : memref<16384x128xf32, #tpu.memory_space<hbm>> -> memref<128x128xf32, #tpu.memory_space<hbm>>
    tpu.enqueue_dma source(%arg12 : memref<128x128xf32, #tpu.memory_space<vmem>>) target(%dma_start3A_95 : memref<128x128xf32, #tpu.memory_space<hbm>>) target_semaphore(%arg20 : memref<!tpu.dma_semaphore, #tpu.memory_space<semaphore_mem>>)
    %dma_wait3A_96 = arith.constant 0 : i32
    %dma_wait3A_97 = tpu.memref_slice %arg6[%add3A_20, %dma_wait3A_96] : memref<16384x128xf32, #tpu.memory_space<hbm>> -> memref<128x128xf32, #tpu.memory_space<hbm>>
    %dma_wait3A_98 = arith.constant 0 : i32
    %dma_wait3A_99 = tpu.memref_slice %arg6[%add3A_20, %dma_wait3A_98] : memref<16384x128xf32, #tpu.memory_space<hbm>> -> memref<128x128xf32, #tpu.memory_space<hbm>>
    tpu.wait_dma2 semaphore(%arg18 : memref<!tpu.dma_semaphore, #tpu.memory_space<semaphore_mem>>) src(%arg10 : memref<128x128xf32, #tpu.memory_space<vmem>>) dst(%dma_wait3A_99 : memref<128x128xf32, #tpu.memory_space<hbm>>)
    %dma_start3A_100 = arith.constant 2 : i32
    %dma_start3A_101 = arith.constant 0 : i32
    %dma_start3A_102 = tpu.memref_slice %arg8[%dma_start3A_100, %dma_start3A_101] : memref<4x128xi32, #tpu.memory_space<vmem>> -> memref<1x128xi32, #tpu.memory_space<vmem>>
    %dma_start3A_103 = tpu.memref_squeeze %dma_start3A_102 : memref<1x128xi32, #tpu.memory_space<vmem>> -> memref<128xi32, #tpu.memory_space<vmem>>
    %dma_start3A_104 = arith.constant 0 : i32
    %dma_start3A_105 = arith.constant 0 : i32
    %dma_start3A_106 = tpu.memref_slice %arg4[%dma_start3A_104, %dma_start3A_105] : memref<126976x128xf32, #tpu.memory_space<hbm>> -> memref<126976x128xf32, #tpu.memory_space<hbm>>
    tpu.enqueue_indirect_dma source(%dma_start3A_106 : memref<126976x128xf32, #tpu.memory_space<hbm>>) target(%arg10 : memref<128x128xf32, #tpu.memory_space<vmem>>) offsets(%dma_start3A_103 : memref<128xi32, #tpu.memory_space<vmem>>) semaphore(%arg14 : memref<!tpu.dma_semaphore, #tpu.memory_space<semaphore_mem>>)
    %dma_wait3A_107 = arith.constant 1 : i32
    %dma_wait3A_108 = arith.constant 0 : i32
    %dma_wait3A_109 = tpu.memref_slice %arg9[%dma_wait3A_107, %dma_wait3A_108] : memref<4x128xi32, #tpu.memory_space<vmem>> -> memref<1x128xi32, #tpu.memory_space<vmem>>
    %dma_wait3A_110 = tpu.memref_squeeze %dma_wait3A_109 : memref<1x128xi32, #tpu.memory_space<vmem>> -> memref<128xi32, #tpu.memory_space<vmem>>
    %dma_wait3A_111 = arith.constant 0 : i32
    %dma_wait3A_112 = arith.constant 0 : i32
    %dma_wait3A_113 = tpu.memref_slice %arg5[%dma_wait3A_111, %dma_wait3A_112] : memref<126976x128xf32, #tpu.memory_space<hbm>> -> memref<126976x128xf32, #tpu.memory_space<hbm>>
    tpu.wait_indirect_dma semaphore(%arg17 : memref<!tpu.dma_semaphore, #tpu.memory_space<semaphore_mem>>) src(%dma_wait3A_113 : memref<126976x128xf32, #tpu.memory_space<hbm>>) dst(%arg13 : memref<128x128xf32, #tpu.memory_space<vmem>>)
    %dma_start3A_114 = arith.constant 0 : i32
    %dma_start3A_115 = tpu.memref_slice %arg7[%add3A_26, %dma_start3A_114] : memref<16384x128xf32, #tpu.memory_space<hbm>> -> memref<128x128xf32, #tpu.memory_space<hbm>>
    %dma_start3A_116 = arith.constant 0 : i32
    %dma_start3A_117 = tpu.memref_slice %arg7[%add3A_26, %dma_start3A_116] : memref<16384x128xf32, #tpu.memory_space<hbm>> -> memref<128x128xf32, #tpu.memory_space<hbm>>
    tpu.enqueue_dma source(%arg13 : memref<128x128xf32, #tpu.memory_space<vmem>>) target(%dma_start3A_117 : memref<128x128xf32, #tpu.memory_space<hbm>>) target_semaphore(%arg21 : memref<!tpu.dma_semaphore, #tpu.memory_space<semaphore_mem>>)
    %dma_wait3A_118 = arith.constant 0 : i32
    %dma_wait3A_119 = tpu.memref_slice %arg7[%add3A_22, %dma_wait3A_118] : memref<16384x128xf32, #tpu.memory_space<hbm>> -> memref<128x128xf32, #tpu.memory_space<hbm>>
    %dma_wait3A_120 = arith.constant 0 : i32
    %dma_wait3A_121 = tpu.memref_slice %arg7[%add3A_22, %dma_wait3A_120] : memref<16384x128xf32, #tpu.memory_space<hbm>> -> memref<128x128xf32, #tpu.memory_space<hbm>>
    tpu.wait_dma2 semaphore(%arg19 : memref<!tpu.dma_semaphore, #tpu.memory_space<semaphore_mem>>) src(%arg11 : memref<128x128xf32, #tpu.memory_space<vmem>>) dst(%dma_wait3A_121 : memref<128x128xf32, #tpu.memory_space<hbm>>)
    %dma_start3A_122 = arith.constant 2 : i32
    %dma_start3A_123 = arith.constant 0 : i32
    %dma_start3A_124 = tpu.memref_slice %arg9[%dma_start3A_122, %dma_start3A_123] : memref<4x128xi32, #tpu.memory_space<vmem>> -> memref<1x128xi32, #tpu.memory_space<vmem>>
    %dma_start3A_125 = tpu.memref_squeeze %dma_start3A_124 : memref<1x128xi32, #tpu.memory_space<vmem>> -> memref<128xi32, #tpu.memory_space<vmem>>
    %dma_start3A_126 = arith.constant 0 : i32
    %dma_start3A_127 = arith.constant 0 : i32
    %dma_start3A_128 = tpu.memref_slice %arg5[%dma_start3A_126, %dma_start3A_127] : memref<126976x128xf32, #tpu.memory_space<hbm>> -> memref<126976x128xf32, #tpu.memory_space<hbm>>
    tpu.enqueue_indirect_dma source(%dma_start3A_128 : memref<126976x128xf32, #tpu.memory_space<hbm>>) target(%arg11 : memref<128x128xf32, #tpu.memory_space<vmem>>) offsets(%dma_start3A_125 : memref<128xi32, #tpu.memory_space<vmem>>) semaphore(%arg15 : memref<!tpu.dma_semaphore, #tpu.memory_space<semaphore_mem>>)
    %dma_wait3A_129 = arith.constant 2 : i32
    %dma_wait3A_130 = arith.constant 0 : i32
    %dma_wait3A_131 = tpu.memref_slice %arg8[%dma_wait3A_129, %dma_wait3A_130] : memref<4x128xi32, #tpu.memory_space<vmem>> -> memref<1x128xi32, #tpu.memory_space<vmem>>
    %dma_wait3A_132 = tpu.memref_squeeze %dma_wait3A_131 : memref<1x128xi32, #tpu.memory_space<vmem>> -> memref<128xi32, #tpu.memory_space<vmem>>
    %dma_wait3A_133 = arith.constant 0 : i32
    %dma_wait3A_134 = arith.constant 0 : i32
    %dma_wait3A_135 = tpu.memref_slice %arg4[%dma_wait3A_133, %dma_wait3A_134] : memref<126976x128xf32, #tpu.memory_space<hbm>> -> memref<126976x128xf32, #tpu.memory_space<hbm>>
    tpu.wait_indirect_dma semaphore(%arg14 : memref<!tpu.dma_semaphore, #tpu.memory_space<semaphore_mem>>) src(%dma_wait3A_135 : memref<126976x128xf32, #tpu.memory_space<hbm>>) dst(%arg10 : memref<128x128xf32, #tpu.memory_space<vmem>>)
    %dma_start3A_136 = arith.constant 0 : i32
    %dma_start3A_137 = tpu.memref_slice %arg6[%add3A_28, %dma_start3A_136] : memref<16384x128xf32, #tpu.memory_space<hbm>> -> memref<128x128xf32, #tpu.memory_space<hbm>>
    %dma_start3A_138 = arith.constant 0 : i32
    %dma_start3A_139 = tpu.memref_slice %arg6[%add3A_28, %dma_start3A_138] : memref<16384x128xf32, #tpu.memory_space<hbm>> -> memref<128x128xf32, #tpu.memory_space<hbm>>
    tpu.enqueue_dma source(%arg10 : memref<128x128xf32, #tpu.memory_space<vmem>>) target(%dma_start3A_139 : memref<128x128xf32, #tpu.memory_space<hbm>>) target_semaphore(%arg18 : memref<!tpu.dma_semaphore, #tpu.memory_space<semaphore_mem>>)
    %dma_wait3A_140 = arith.constant 0 : i32
    %dma_wait3A_141 = tpu.memref_slice %arg6[%add3A_24, %dma_wait3A_140] : memref<16384x128xf32, #tpu.memory_space<hbm>> -> memref<128x128xf32, #tpu.memory_space<hbm>>
    %dma_wait3A_142 = arith.constant 0 : i32
    %dma_wait3A_143 = tpu.memref_slice %arg6[%add3A_24, %dma_wait3A_142] : memref<16384x128xf32, #tpu.memory_space<hbm>> -> memref<128x128xf32, #tpu.memory_space<hbm>>
    tpu.wait_dma2 semaphore(%arg20 : memref<!tpu.dma_semaphore, #tpu.memory_space<semaphore_mem>>) src(%arg12 : memref<128x128xf32, #tpu.memory_space<vmem>>) dst(%dma_wait3A_143 : memref<128x128xf32, #tpu.memory_space<hbm>>)
    %dma_start3A_144 = arith.constant 3 : i32
    %dma_start3A_145 = arith.constant 0 : i32
    %dma_start3A_146 = tpu.memref_slice %arg8[%dma_start3A_144, %dma_start3A_145] : memref<4x128xi32, #tpu.memory_space<vmem>> -> memref<1x128xi32, #tpu.memory_space<vmem>>
    %dma_start3A_147 = tpu.memref_squeeze %dma_start3A_146 : memref<1x128xi32, #tpu.memory_space<vmem>> -> memref<128xi32, #tpu.memory_space<vmem>>
    %dma_start3A_148 = arith.constant 0 : i32
    %dma_start3A_149 = arith.constant 0 : i32
    %dma_start3A_150 = tpu.memref_slice %arg4[%dma_start3A_148, %dma_start3A_149] : memref<126976x128xf32, #tpu.memory_space<hbm>> -> memref<126976x128xf32, #tpu.memory_space<hbm>>
    tpu.enqueue_indirect_dma source(%dma_start3A_150 : memref<126976x128xf32, #tpu.memory_space<hbm>>) target(%arg12 : memref<128x128xf32, #tpu.memory_space<vmem>>) offsets(%dma_start3A_147 : memref<128xi32, #tpu.memory_space<vmem>>) semaphore(%arg16 : memref<!tpu.dma_semaphore, #tpu.memory_space<semaphore_mem>>)
    %dma_wait3A_151 = arith.constant 2 : i32
    %dma_wait3A_152 = arith.constant 0 : i32
    %dma_wait3A_153 = tpu.memref_slice %arg9[%dma_wait3A_151, %dma_wait3A_152] : memref<4x128xi32, #tpu.memory_space<vmem>> -> memref<1x128xi32, #tpu.memory_space<vmem>>
    %dma_wait3A_154 = tpu.memref_squeeze %dma_wait3A_153 : memref<1x128xi32, #tpu.memory_space<vmem>> -> memref<128xi32, #tpu.memory_space<vmem>>
    %dma_wait3A_155 = arith.constant 0 : i32
    %dma_wait3A_156 = arith.constant 0 : i32
    %dma_wait3A_157 = tpu.memref_slice %arg5[%dma_wait3A_155, %dma_wait3A_156] : memref<126976x128xf32, #tpu.memory_space<hbm>> -> memref<126976x128xf32, #tpu.memory_space<hbm>>
    tpu.wait_indirect_dma semaphore(%arg15 : memref<!tpu.dma_semaphore, #tpu.memory_space<semaphore_mem>>) src(%dma_wait3A_157 : memref<126976x128xf32, #tpu.memory_space<hbm>>) dst(%arg11 : memref<128x128xf32, #tpu.memory_space<vmem>>)
    %dma_start3A_158 = arith.constant 0 : i32
    %dma_start3A_159 = tpu.memref_slice %arg7[%add3A_30, %dma_start3A_158] : memref<16384x128xf32, #tpu.memory_space<hbm>> -> memref<128x128xf32, #tpu.memory_space<hbm>>
    %dma_start3A_160 = arith.constant 0 : i32
    %dma_start3A_161 = tpu.memref_slice %arg7[%add3A_30, %dma_start3A_160] : memref<16384x128xf32, #tpu.memory_space<hbm>> -> memref<128x128xf32, #tpu.memory_space<hbm>>
    tpu.enqueue_dma source(%arg11 : memref<128x128xf32, #tpu.memory_space<vmem>>) target(%dma_start3A_161 : memref<128x128xf32, #tpu.memory_space<hbm>>) target_semaphore(%arg19 : memref<!tpu.dma_semaphore, #tpu.memory_space<semaphore_mem>>)
    %dma_wait3A_162 = arith.constant 0 : i32
    %dma_wait3A_163 = tpu.memref_slice %arg7[%add3A_26, %dma_wait3A_162] : memref<16384x128xf32, #tpu.memory_space<hbm>> -> memref<128x128xf32, #tpu.memory_space<hbm>>
    %dma_wait3A_164 = arith.constant 0 : i32
    %dma_wait3A_165 = tpu.memref_slice %arg7[%add3A_26, %dma_wait3A_164] : memref<16384x128xf32, #tpu.memory_space<hbm>> -> memref<128x128xf32, #tpu.memory_space<hbm>>
    tpu.wait_dma2 semaphore(%arg21 : memref<!tpu.dma_semaphore, #tpu.memory_space<semaphore_mem>>) src(%arg13 : memref<128x128xf32, #tpu.memory_space<vmem>>) dst(%dma_wait3A_165 : memref<128x128xf32, #tpu.memory_space<hbm>>)
    %dma_start3A_166 = arith.constant 3 : i32
    %dma_start3A_167 = arith.constant 0 : i32
    %dma_start3A_168 = tpu.memref_slice %arg9[%dma_start3A_166, %dma_start3A_167] : memref<4x128xi32, #tpu.memory_space<vmem>> -> memref<1x128xi32, #tpu.memory_space<vmem>>
    %dma_start3A_169 = tpu.memref_squeeze %dma_start3A_168 : memref<1x128xi32, #tpu.memory_space<vmem>> -> memref<128xi32, #tpu.memory_space<vmem>>
    %dma_start3A_170 = arith.constant 0 : i32
    %dma_start3A_171 = arith.constant 0 : i32
    %dma_start3A_172 = tpu.memref_slice %arg5[%dma_start3A_170, %dma_start3A_171] : memref<126976x128xf32, #tpu.memory_space<hbm>> -> memref<126976x128xf32, #tpu.memory_space<hbm>>
    tpu.enqueue_indirect_dma source(%dma_start3A_172 : memref<126976x128xf32, #tpu.memory_space<hbm>>) target(%arg13 : memref<128x128xf32, #tpu.memory_space<vmem>>) offsets(%dma_start3A_169 : memref<128xi32, #tpu.memory_space<vmem>>) semaphore(%arg17 : memref<!tpu.dma_semaphore, #tpu.memory_space<semaphore_mem>>)
    %dma_wait3A_173 = arith.constant 3 : i32
    %dma_wait3A_174 = arith.constant 0 : i32
    %dma_wait3A_175 = tpu.memref_slice %arg8[%dma_wait3A_173, %dma_wait3A_174] : memref<4x128xi32, #tpu.memory_space<vmem>> -> memref<1x128xi32, #tpu.memory_space<vmem>>
    %dma_wait3A_176 = tpu.memref_squeeze %dma_wait3A_175 : memref<1x128xi32, #tpu.memory_space<vmem>> -> memref<128xi32, #tpu.memory_space<vmem>>
    %dma_wait3A_177 = arith.constant 0 : i32
    %dma_wait3A_178 = arith.constant 0 : i32
    %dma_wait3A_179 = tpu.memref_slice %arg4[%dma_wait3A_177, %dma_wait3A_178] : memref<126976x128xf32, #tpu.memory_space<hbm>> -> memref<126976x128xf32, #tpu.memory_space<hbm>>
    tpu.wait_indirect_dma semaphore(%arg16 : memref<!tpu.dma_semaphore, #tpu.memory_space<semaphore_mem>>) src(%dma_wait3A_179 : memref<126976x128xf32, #tpu.memory_space<hbm>>) dst(%arg12 : memref<128x128xf32, #tpu.memory_space<vmem>>)
    %dma_start3A_180 = arith.constant 0 : i32
    %dma_start3A_181 = tpu.memref_slice %arg6[%add3A_32, %dma_start3A_180] : memref<16384x128xf32, #tpu.memory_space<hbm>> -> memref<128x128xf32, #tpu.memory_space<hbm>>
    %dma_start3A_182 = arith.constant 0 : i32
    %dma_start3A_183 = tpu.memref_slice %arg6[%add3A_32, %dma_start3A_182] : memref<16384x128xf32, #tpu.memory_space<hbm>> -> memref<128x128xf32, #tpu.memory_space<hbm>>
    tpu.enqueue_dma source(%arg12 : memref<128x128xf32, #tpu.memory_space<vmem>>) target(%dma_start3A_183 : memref<128x128xf32, #tpu.memory_space<hbm>>) target_semaphore(%arg20 : memref<!tpu.dma_semaphore, #tpu.memory_space<semaphore_mem>>)
    %dma_wait3A_184 = arith.constant 3 : i32
    %dma_wait3A_185 = arith.constant 0 : i32
    %dma_wait3A_186 = tpu.memref_slice %arg9[%dma_wait3A_184, %dma_wait3A_185] : memref<4x128xi32, #tpu.memory_space<vmem>> -> memref<1x128xi32, #tpu.memory_space<vmem>>
    %dma_wait3A_187 = tpu.memref_squeeze %dma_wait3A_186 : memref<1x128xi32, #tpu.memory_space<vmem>> -> memref<128xi32, #tpu.memory_space<vmem>>
    %dma_wait3A_188 = arith.constant 0 : i32
    %dma_wait3A_189 = arith.constant 0 : i32
    %dma_wait3A_190 = tpu.memref_slice %arg5[%dma_wait3A_188, %dma_wait3A_189] : memref<126976x128xf32, #tpu.memory_space<hbm>> -> memref<126976x128xf32, #tpu.memory_space<hbm>>
    tpu.wait_indirect_dma semaphore(%arg17 : memref<!tpu.dma_semaphore, #tpu.memory_space<semaphore_mem>>) src(%dma_wait3A_190 : memref<126976x128xf32, #tpu.memory_space<hbm>>) dst(%arg13 : memref<128x128xf32, #tpu.memory_space<vmem>>)
    %dma_start3A_191 = arith.constant 0 : i32
    %dma_start3A_192 = tpu.memref_slice %arg7[%add3A_34, %dma_start3A_191] : memref<16384x128xf32, #tpu.memory_space<hbm>> -> memref<128x128xf32, #tpu.memory_space<hbm>>
    %dma_start3A_193 = arith.constant 0 : i32
    %dma_start3A_194 = tpu.memref_slice %arg7[%add3A_34, %dma_start3A_193] : memref<16384x128xf32, #tpu.memory_space<hbm>> -> memref<128x128xf32, #tpu.memory_space<hbm>>
    tpu.enqueue_dma source(%arg13 : memref<128x128xf32, #tpu.memory_space<vmem>>) target(%dma_start3A_194 : memref<128x128xf32, #tpu.memory_space<hbm>>) target_semaphore(%arg21 : memref<!tpu.dma_semaphore, #tpu.memory_space<semaphore_mem>>)
    %dma_wait3A_195 = arith.constant 0 : i32
    %dma_wait3A_196 = tpu.memref_slice %arg6[%add3A_28, %dma_wait3A_195] : memref<16384x128xf32, #tpu.memory_space<hbm>> -> memref<128x128xf32, #tpu.memory_space<hbm>>
    %dma_wait3A_197 = arith.constant 0 : i32
    %dma_wait3A_198 = tpu.memref_slice %arg6[%add3A_28, %dma_wait3A_197] : memref<16384x128xf32, #tpu.memory_space<hbm>> -> memref<128x128xf32, #tpu.memory_space<hbm>>
    tpu.wait_dma2 semaphore(%arg18 : memref<!tpu.dma_semaphore, #tpu.memory_space<semaphore_mem>>) src(%arg10 : memref<128x128xf32, #tpu.memory_space<vmem>>) dst(%dma_wait3A_198 : memref<128x128xf32, #tpu.memory_space<hbm>>)
    %dma_wait3A_199 = arith.constant 0 : i32
    %dma_wait3A_200 = tpu.memref_slice %arg7[%add3A_30, %dma_wait3A_199] : memref<16384x128xf32, #tpu.memory_space<hbm>> -> memref<128x128xf32, #tpu.memory_space<hbm>>
    %dma_wait3A_201 = arith.constant 0 : i32
    %dma_wait3A_202 = tpu.memref_slice %arg7[%add3A_30, %dma_wait3A_201] : memref<16384x128xf32, #tpu.memory_space<hbm>> -> memref<128x128xf32, #tpu.memory_space<hbm>>
    tpu.wait_dma2 semaphore(%arg19 : memref<!tpu.dma_semaphore, #tpu.memory_space<semaphore_mem>>) src(%arg11 : memref<128x128xf32, #tpu.memory_space<vmem>>) dst(%dma_wait3A_202 : memref<128x128xf32, #tpu.memory_space<hbm>>)
    %dma_wait3A_203 = arith.constant 0 : i32
    %dma_wait3A_204 = tpu.memref_slice %arg6[%add3A_32, %dma_wait3A_203] : memref<16384x128xf32, #tpu.memory_space<hbm>> -> memref<128x128xf32, #tpu.memory_space<hbm>>
    %dma_wait3A_205 = arith.constant 0 : i32
    %dma_wait3A_206 = tpu.memref_slice %arg6[%add3A_32, %dma_wait3A_205] : memref<16384x128xf32, #tpu.memory_space<hbm>> -> memref<128x128xf32, #tpu.memory_space<hbm>>
    tpu.wait_dma2 semaphore(%arg20 : memref<!tpu.dma_semaphore, #tpu.memory_space<semaphore_mem>>) src(%arg12 : memref<128x128xf32, #tpu.memory_space<vmem>>) dst(%dma_wait3A_206 : memref<128x128xf32, #tpu.memory_space<hbm>>)
    %dma_wait3A_207 = arith.constant 0 : i32
    %dma_wait3A_208 = tpu.memref_slice %arg7[%add3A_34, %dma_wait3A_207] : memref<16384x128xf32, #tpu.memory_space<hbm>> -> memref<128x128xf32, #tpu.memory_space<hbm>>
    %dma_wait3A_209 = arith.constant 0 : i32
    %dma_wait3A_210 = tpu.memref_slice %arg7[%add3A_34, %dma_wait3A_209] : memref<16384x128xf32, #tpu.memory_space<hbm>> -> memref<128x128xf32, #tpu.memory_space<hbm>>
    tpu.wait_dma2 semaphore(%arg21 : memref<!tpu.dma_semaphore, #tpu.memory_space<semaphore_mem>>) src(%arg13 : memref<128x128xf32, #tpu.memory_space<vmem>>) dst(%dma_wait3A_210 : memref<128x128xf32, #tpu.memory_space<hbm>>)
    return
  }
}

module attributes {stable_mosaic.version = 14 : i64} {
  func.func @_lines_body(%arg0: i32, %arg1: memref<16x32768xf32, #tpu.memory_space<vmem>>, %arg2: memref<16x32768xf32, #tpu.memory_space<vmem>>, %arg3: memref<128x128xbf16, #tpu.memory_space<vmem>>, %arg4: memref<128x128xbf16, #tpu.memory_space<vmem>>, %arg5: memref<4096x128xf32, #tpu.memory_space<vmem>>, %arg6: memref<4096x128xf32, #tpu.memory_space<vmem>>) attributes {dimension_semantics = [#tpu.dimension_semantics<arbitrary>], iteration_bounds = array<i64: 31>, scalar_prefetch = 0 : i64, scratch_operands = 0 : i64, tpu.core_type = #tpu.core_type<tc>, window_params = [{transform_indices = @transform_0, window_bounds = array<i64: 16, 32768>}, {transform_indices = @transform_1, window_bounds = array<i64: 16, 32768>}, {pipeline_mode = #tpu.pipeline_mode<synchronous>, transform_indices = @transform_2, window_bounds = array<i64: 128, 128>}, {pipeline_mode = #tpu.pipeline_mode<synchronous>, transform_indices = @transform_3, window_bounds = array<i64: 128, 128>}, {transform_indices = @transform_4, window_bounds = array<i64: 4096, 128>}, {transform_indices = @transform_5, window_bounds = array<i64: 4096, 128>}]} {
    %get3A = arith.constant 0 : index
    %get3A_0 = arith.constant 0 : index
    %get3A_1 = vector.load %arg1[%get3A, %get3A_0] : memref<16x32768xf32, #tpu.memory_space<vmem>>, vector<16x32768xf32>
    %convert_element_type3A = arith.truncf %get3A_1 : vector<16x32768xf32> to vector<16x32768xbf16>
    %transpose3A = tpu.transpose %convert_element_type3A, [1, 0] : vector<16x32768xbf16> -> vector<32768x16xbf16>
    %slice3A = vector.extract_strided_slice %transpose3A {offsets = [0, 0], sizes = [4096, 16], strides = [1, 1]} : vector<32768x16xbf16> to vector<4096x16xbf16>
    %get3A_2 = arith.constant 0 : index
    %get3A_3 = arith.constant 0 : index
    %get3A_4 = vector.load %arg3[%get3A_2, %get3A_3] : memref<128x128xbf16, #tpu.memory_space<vmem>>, vector<16x128xbf16>
    %dot_general3A = arith.constant dense<0.000000e+00> : vector<4096x128xf32>
    %dot_general3A_5 = tpu.matmul %slice3A, %get3A_4, %dot_general3A {dimension_numbers = #tpu.dot_dimension_numbers<[1], [0], [0], [1], [0, 0, 1, 1], [], []>, transpose_lhs_hint = false} : vector<4096x16xbf16>, vector<16x128xbf16>, vector<4096x128xf32> -> vector<4096x128xf32>
    %slice3A_6 = vector.extract_strided_slice %transpose3A {offsets = [4096, 0], sizes = [4096, 16], strides = [1, 1]} : vector<32768x16xbf16> to vector<4096x16xbf16>
    %get3A_7 = arith.constant 16 : index
    %get3A_8 = arith.constant 0 : index
    %get3A_9 = vector.load %arg3[%get3A_7, %get3A_8] : memref<128x128xbf16, #tpu.memory_space<vmem>>, vector<16x128xbf16>
    %dot_general3A_10 = arith.constant dense<0.000000e+00> : vector<4096x128xf32>
    %dot_general3A_11 = tpu.matmul %slice3A_6, %get3A_9, %dot_general3A_10 {dimension_numbers = #tpu.dot_dimension_numbers<[1], [0], [0], [1], [0, 0, 1, 1], [], []>, transpose_lhs_hint = false} : vector<4096x16xbf16>, vector<16x128xbf16>, vector<4096x128xf32> -> vector<4096x128xf32>
    %add3A = arith.addf %dot_general3A_5, %dot_general3A_11 : vector<4096x128xf32>
    %slice3A_12 = vector.extract_strided_slice %transpose3A {offsets = [8192, 0], sizes = [4096, 16], strides = [1, 1]} : vector<32768x16xbf16> to vector<4096x16xbf16>
    %get3A_13 = arith.constant 32 : index
    %get3A_14 = arith.constant 0 : index
    %get3A_15 = vector.load %arg3[%get3A_13, %get3A_14] : memref<128x128xbf16, #tpu.memory_space<vmem>>, vector<16x128xbf16>
    %dot_general3A_16 = arith.constant dense<0.000000e+00> : vector<4096x128xf32>
    %dot_general3A_17 = tpu.matmul %slice3A_12, %get3A_15, %dot_general3A_16 {dimension_numbers = #tpu.dot_dimension_numbers<[1], [0], [0], [1], [0, 0, 1, 1], [], []>, transpose_lhs_hint = false} : vector<4096x16xbf16>, vector<16x128xbf16>, vector<4096x128xf32> -> vector<4096x128xf32>
    %add3A_18 = arith.addf %add3A, %dot_general3A_17 : vector<4096x128xf32>
    %slice3A_19 = vector.extract_strided_slice %transpose3A {offsets = [12288, 0], sizes = [4096, 16], strides = [1, 1]} : vector<32768x16xbf16> to vector<4096x16xbf16>
    %get3A_20 = arith.constant 48 : index
    %get3A_21 = arith.constant 0 : index
    %get3A_22 = vector.load %arg3[%get3A_20, %get3A_21] : memref<128x128xbf16, #tpu.memory_space<vmem>>, vector<16x128xbf16>
    %dot_general3A_23 = arith.constant dense<0.000000e+00> : vector<4096x128xf32>
    %dot_general3A_24 = tpu.matmul %slice3A_19, %get3A_22, %dot_general3A_23 {dimension_numbers = #tpu.dot_dimension_numbers<[1], [0], [0], [1], [0, 0, 1, 1], [], []>, transpose_lhs_hint = false} : vector<4096x16xbf16>, vector<16x128xbf16>, vector<4096x128xf32> -> vector<4096x128xf32>
    %add3A_25 = arith.addf %add3A_18, %dot_general3A_24 : vector<4096x128xf32>
    %slice3A_26 = vector.extract_strided_slice %transpose3A {offsets = [16384, 0], sizes = [4096, 16], strides = [1, 1]} : vector<32768x16xbf16> to vector<4096x16xbf16>
    %get3A_27 = arith.constant 64 : index
    %get3A_28 = arith.constant 0 : index
    %get3A_29 = vector.load %arg3[%get3A_27, %get3A_28] : memref<128x128xbf16, #tpu.memory_space<vmem>>, vector<16x128xbf16>
    %dot_general3A_30 = arith.constant dense<0.000000e+00> : vector<4096x128xf32>
    %dot_general3A_31 = tpu.matmul %slice3A_26, %get3A_29, %dot_general3A_30 {dimension_numbers = #tpu.dot_dimension_numbers<[1], [0], [0], [1], [0, 0, 1, 1], [], []>, transpose_lhs_hint = false} : vector<4096x16xbf16>, vector<16x128xbf16>, vector<4096x128xf32> -> vector<4096x128xf32>
    %add3A_32 = arith.addf %add3A_25, %dot_general3A_31 : vector<4096x128xf32>
    %slice3A_33 = vector.extract_strided_slice %transpose3A {offsets = [20480, 0], sizes = [4096, 16], strides = [1, 1]} : vector<32768x16xbf16> to vector<4096x16xbf16>
    %get3A_34 = arith.constant 80 : index
    %get3A_35 = arith.constant 0 : index
    %get3A_36 = vector.load %arg3[%get3A_34, %get3A_35] : memref<128x128xbf16, #tpu.memory_space<vmem>>, vector<16x128xbf16>
    %dot_general3A_37 = arith.constant dense<0.000000e+00> : vector<4096x128xf32>
    %dot_general3A_38 = tpu.matmul %slice3A_33, %get3A_36, %dot_general3A_37 {dimension_numbers = #tpu.dot_dimension_numbers<[1], [0], [0], [1], [0, 0, 1, 1], [], []>, transpose_lhs_hint = false} : vector<4096x16xbf16>, vector<16x128xbf16>, vector<4096x128xf32> -> vector<4096x128xf32>
    %add3A_39 = arith.addf %add3A_32, %dot_general3A_38 : vector<4096x128xf32>
    %slice3A_40 = vector.extract_strided_slice %transpose3A {offsets = [24576, 0], sizes = [4096, 16], strides = [1, 1]} : vector<32768x16xbf16> to vector<4096x16xbf16>
    %get3A_41 = arith.constant 96 : index
    %get3A_42 = arith.constant 0 : index
    %get3A_43 = vector.load %arg3[%get3A_41, %get3A_42] : memref<128x128xbf16, #tpu.memory_space<vmem>>, vector<16x128xbf16>
    %dot_general3A_44 = arith.constant dense<0.000000e+00> : vector<4096x128xf32>
    %dot_general3A_45 = tpu.matmul %slice3A_40, %get3A_43, %dot_general3A_44 {dimension_numbers = #tpu.dot_dimension_numbers<[1], [0], [0], [1], [0, 0, 1, 1], [], []>, transpose_lhs_hint = false} : vector<4096x16xbf16>, vector<16x128xbf16>, vector<4096x128xf32> -> vector<4096x128xf32>
    %add3A_46 = arith.addf %add3A_39, %dot_general3A_45 : vector<4096x128xf32>
    %slice3A_47 = vector.extract_strided_slice %transpose3A {offsets = [28672, 0], sizes = [4096, 16], strides = [1, 1]} : vector<32768x16xbf16> to vector<4096x16xbf16>
    %get3A_48 = arith.constant 112 : index
    %get3A_49 = arith.constant 0 : index
    %get3A_50 = vector.load %arg3[%get3A_48, %get3A_49] : memref<128x128xbf16, #tpu.memory_space<vmem>>, vector<16x128xbf16>
    %dot_general3A_51 = arith.constant dense<0.000000e+00> : vector<4096x128xf32>
    %dot_general3A_52 = tpu.matmul %slice3A_47, %get3A_50, %dot_general3A_51 {dimension_numbers = #tpu.dot_dimension_numbers<[1], [0], [0], [1], [0, 0, 1, 1], [], []>, transpose_lhs_hint = false} : vector<4096x16xbf16>, vector<16x128xbf16>, vector<4096x128xf32> -> vector<4096x128xf32>
    %add3A_53 = arith.addf %add3A_46, %dot_general3A_52 : vector<4096x128xf32>
    %swap3A = arith.constant 0 : index
    %swap3A_54 = arith.constant 0 : index
    %swap3A_55 = vector.load %arg5[%swap3A, %swap3A_54] : memref<4096x128xf32, #tpu.memory_space<vmem>>, vector<4096x128xf32>
    tpu.vector_store %arg5[%swap3A, %swap3A_54], %add3A_53 {strides = array<i32>} : memref<4096x128xf32, #tpu.memory_space<vmem>>, vector<4096x128xf32>,
    %get3A_56 = arith.constant 0 : index
    %get3A_57 = arith.constant 0 : index
    %get3A_58 = vector.load %arg2[%get3A_56, %get3A_57] : memref<16x32768xf32, #tpu.memory_space<vmem>>, vector<16x32768xf32>
    %convert_element_type3A_59 = arith.truncf %get3A_58 : vector<16x32768xf32> to vector<16x32768xbf16>
    %transpose3A_60 = tpu.transpose %convert_element_type3A_59, [1, 0] : vector<16x32768xbf16> -> vector<32768x16xbf16>
    %slice3A_61 = vector.extract_strided_slice %transpose3A_60 {offsets = [0, 0], sizes = [4096, 16], strides = [1, 1]} : vector<32768x16xbf16> to vector<4096x16xbf16>
    %get3A_62 = arith.constant 0 : index
    %get3A_63 = arith.constant 0 : index
    %get3A_64 = vector.load %arg4[%get3A_62, %get3A_63] : memref<128x128xbf16, #tpu.memory_space<vmem>>, vector<16x128xbf16>
    %dot_general3A_65 = arith.constant dense<0.000000e+00> : vector<4096x128xf32>
    %dot_general3A_66 = tpu.matmul %slice3A_61, %get3A_64, %dot_general3A_65 {dimension_numbers = #tpu.dot_dimension_numbers<[1], [0], [0], [1], [0, 0, 1, 1], [], []>, transpose_lhs_hint = false} : vector<4096x16xbf16>, vector<16x128xbf16>, vector<4096x128xf32> -> vector<4096x128xf32>
    %slice3A_67 = vector.extract_strided_slice %transpose3A_60 {offsets = [4096, 0], sizes = [4096, 16], strides = [1, 1]} : vector<32768x16xbf16> to vector<4096x16xbf16>
    %get3A_68 = arith.constant 16 : index
    %get3A_69 = arith.constant 0 : index
    %get3A_70 = vector.load %arg4[%get3A_68, %get3A_69] : memref<128x128xbf16, #tpu.memory_space<vmem>>, vector<16x128xbf16>
    %dot_general3A_71 = arith.constant dense<0.000000e+00> : vector<4096x128xf32>
    %dot_general3A_72 = tpu.matmul %slice3A_67, %get3A_70, %dot_general3A_71 {dimension_numbers = #tpu.dot_dimension_numbers<[1], [0], [0], [1], [0, 0, 1, 1], [], []>, transpose_lhs_hint = false} : vector<4096x16xbf16>, vector<16x128xbf16>, vector<4096x128xf32> -> vector<4096x128xf32>
    %add3A_73 = arith.addf %dot_general3A_66, %dot_general3A_72 : vector<4096x128xf32>
    %slice3A_74 = vector.extract_strided_slice %transpose3A_60 {offsets = [8192, 0], sizes = [4096, 16], strides = [1, 1]} : vector<32768x16xbf16> to vector<4096x16xbf16>
    %get3A_75 = arith.constant 32 : index
    %get3A_76 = arith.constant 0 : index
    %get3A_77 = vector.load %arg4[%get3A_75, %get3A_76] : memref<128x128xbf16, #tpu.memory_space<vmem>>, vector<16x128xbf16>
    %dot_general3A_78 = arith.constant dense<0.000000e+00> : vector<4096x128xf32>
    %dot_general3A_79 = tpu.matmul %slice3A_74, %get3A_77, %dot_general3A_78 {dimension_numbers = #tpu.dot_dimension_numbers<[1], [0], [0], [1], [0, 0, 1, 1], [], []>, transpose_lhs_hint = false} : vector<4096x16xbf16>, vector<16x128xbf16>, vector<4096x128xf32> -> vector<4096x128xf32>
    %add3A_80 = arith.addf %add3A_73, %dot_general3A_79 : vector<4096x128xf32>
    %slice3A_81 = vector.extract_strided_slice %transpose3A_60 {offsets = [12288, 0], sizes = [4096, 16], strides = [1, 1]} : vector<32768x16xbf16> to vector<4096x16xbf16>
    %get3A_82 = arith.constant 48 : index
    %get3A_83 = arith.constant 0 : index
    %get3A_84 = vector.load %arg4[%get3A_82, %get3A_83] : memref<128x128xbf16, #tpu.memory_space<vmem>>, vector<16x128xbf16>
    %dot_general3A_85 = arith.constant dense<0.000000e+00> : vector<4096x128xf32>
    %dot_general3A_86 = tpu.matmul %slice3A_81, %get3A_84, %dot_general3A_85 {dimension_numbers = #tpu.dot_dimension_numbers<[1], [0], [0], [1], [0, 0, 1, 1], [], []>, transpose_lhs_hint = false} : vector<4096x16xbf16>, vector<16x128xbf16>, vector<4096x128xf32> -> vector<4096x128xf32>
    %add3A_87 = arith.addf %add3A_80, %dot_general3A_86 : vector<4096x128xf32>
    %slice3A_88 = vector.extract_strided_slice %transpose3A_60 {offsets = [16384, 0], sizes = [4096, 16], strides = [1, 1]} : vector<32768x16xbf16> to vector<4096x16xbf16>
    %get3A_89 = arith.constant 64 : index
    %get3A_90 = arith.constant 0 : index
    %get3A_91 = vector.load %arg4[%get3A_89, %get3A_90] : memref<128x128xbf16, #tpu.memory_space<vmem>>, vector<16x128xbf16>
    %dot_general3A_92 = arith.constant dense<0.000000e+00> : vector<4096x128xf32>
    %dot_general3A_93 = tpu.matmul %slice3A_88, %get3A_91, %dot_general3A_92 {dimension_numbers = #tpu.dot_dimension_numbers<[1], [0], [0], [1], [0, 0, 1, 1], [], []>, transpose_lhs_hint = false} : vector<4096x16xbf16>, vector<16x128xbf16>, vector<4096x128xf32> -> vector<4096x128xf32>
    %add3A_94 = arith.addf %add3A_87, %dot_general3A_93 : vector<4096x128xf32>
    %slice3A_95 = vector.extract_strided_slice %transpose3A_60 {offsets = [20480, 0], sizes = [4096, 16], strides = [1, 1]} : vector<32768x16xbf16> to vector<4096x16xbf16>
    %get3A_96 = arith.constant 80 : index
    %get3A_97 = arith.constant 0 : index
    %get3A_98 = vector.load %arg4[%get3A_96, %get3A_97] : memref<128x128xbf16, #tpu.memory_space<vmem>>, vector<16x128xbf16>
    %dot_general3A_99 = arith.constant dense<0.000000e+00> : vector<4096x128xf32>
    %dot_general3A_100 = tpu.matmul %slice3A_95, %get3A_98, %dot_general3A_99 {dimension_numbers = #tpu.dot_dimension_numbers<[1], [0], [0], [1], [0, 0, 1, 1], [], []>, transpose_lhs_hint = false} : vector<4096x16xbf16>, vector<16x128xbf16>, vector<4096x128xf32> -> vector<4096x128xf32>
    %add3A_101 = arith.addf %add3A_94, %dot_general3A_100 : vector<4096x128xf32>
    %slice3A_102 = vector.extract_strided_slice %transpose3A_60 {offsets = [24576, 0], sizes = [4096, 16], strides = [1, 1]} : vector<32768x16xbf16> to vector<4096x16xbf16>
    %get3A_103 = arith.constant 96 : index
    %get3A_104 = arith.constant 0 : index
    %get3A_105 = vector.load %arg4[%get3A_103, %get3A_104] : memref<128x128xbf16, #tpu.memory_space<vmem>>, vector<16x128xbf16>
    %dot_general3A_106 = arith.constant dense<0.000000e+00> : vector<4096x128xf32>
    %dot_general3A_107 = tpu.matmul %slice3A_102, %get3A_105, %dot_general3A_106 {dimension_numbers = #tpu.dot_dimension_numbers<[1], [0], [0], [1], [0, 0, 1, 1], [], []>, transpose_lhs_hint = false} : vector<4096x16xbf16>, vector<16x128xbf16>, vector<4096x128xf32> -> vector<4096x128xf32>
    %add3A_108 = arith.addf %add3A_101, %dot_general3A_107 : vector<4096x128xf32>
    %slice3A_109 = vector.extract_strided_slice %transpose3A_60 {offsets = [28672, 0], sizes = [4096, 16], strides = [1, 1]} : vector<32768x16xbf16> to vector<4096x16xbf16>
    %get3A_110 = arith.constant 112 : index
    %get3A_111 = arith.constant 0 : index
    %get3A_112 = vector.load %arg4[%get3A_110, %get3A_111] : memref<128x128xbf16, #tpu.memory_space<vmem>>, vector<16x128xbf16>
    %dot_general3A_113 = arith.constant dense<0.000000e+00> : vector<4096x128xf32>
    %dot_general3A_114 = tpu.matmul %slice3A_109, %get3A_112, %dot_general3A_113 {dimension_numbers = #tpu.dot_dimension_numbers<[1], [0], [0], [1], [0, 0, 1, 1], [], []>, transpose_lhs_hint = false} : vector<4096x16xbf16>, vector<16x128xbf16>, vector<4096x128xf32> -> vector<4096x128xf32>
    %add3A_115 = arith.addf %add3A_108, %dot_general3A_114 : vector<4096x128xf32>
    %swap3A_116 = arith.constant 0 : index
    %swap3A_117 = arith.constant 0 : index
    %swap3A_118 = vector.load %arg6[%swap3A_116, %swap3A_117] : memref<4096x128xf32, #tpu.memory_space<vmem>>, vector<4096x128xf32>
    tpu.vector_store %arg6[%swap3A_116, %swap3A_117], %add3A_115 {strides = array<i32>} : memref<4096x128xf32, #tpu.memory_space<vmem>>, vector<4096x128xf32>,
    return
  }
  func.func @transform_0(%arg0: i32) -> (i32, i32) {
    %c0_i32 = arith.constant 0 : i32
    %c0_i32_0 = arith.constant 0 : i32
    return %c0_i32, %arg0 : i32, i32
  }
  func.func @transform_1(%arg0: i32) -> (i32, i32) {
    %c0_i32 = arith.constant 0 : i32
    %c0_i32_0 = arith.constant 0 : i32
    return %c0_i32, %arg0 : i32, i32
  }
  func.func @transform_2(%arg0: i32) -> (i32, i32) {
    %c0_i32 = arith.constant 0 : i32
    %c0_i32_0 = arith.constant 0 : i32
    %c0_i32_1 = arith.constant 0 : i32
    return %c0_i32, %c0_i32_0 : i32, i32
  }
  func.func @transform_3(%arg0: i32) -> (i32, i32) {
    %c0_i32 = arith.constant 0 : i32
    %c0_i32_0 = arith.constant 0 : i32
    %c0_i32_1 = arith.constant 0 : i32
    return %c0_i32, %c0_i32_0 : i32, i32
  }
  func.func @transform_4(%arg0: i32) -> (i32, i32) {
    %c0_i32 = arith.constant 0 : i32
    %c0_i32_0 = arith.constant 0 : i32
    return %arg0, %c0_i32 : i32, i32
  }
  func.func @transform_5(%arg0: i32) -> (i32, i32) {
    %c0_i32 = arith.constant 0 : i32
    %c0_i32_0 = arith.constant 0 : i32
    return %arg0, %c0_i32 : i32, i32
  }
}

module attributes {stable_mosaic.version = 14 : i64} {
  func.func @_mlp_body(%arg0: i32, %arg1: memref<2048x128xf32, #tpu.memory_space<vmem>>, %arg2: memref<2048x128xf32, #tpu.memory_space<vmem>>, %arg3: memref<2048x1xi32, #tpu.memory_space<vmem>>, %arg4: memref<2048x1xi32, #tpu.memory_space<vmem>>, %arg5: memref<1x16xf32, #tpu.memory_space<vmem>>, %arg6: memref<1xf32, #tpu.memory_space<smem>>, %arg7: memref<2048xf32, #tpu.memory_space<vmem>>) attributes {dimension_semantics = [#tpu.dimension_semantics<arbitrary>], iteration_bounds = array<i64: 8>, scalar_prefetch = 0 : i64, scratch_operands = 0 : i64, tpu.core_type = #tpu.core_type<tc>, window_params = [{transform_indices = @transform_0, window_bounds = array<i64: 2048, 128>}, {transform_indices = @transform_1, window_bounds = array<i64: 2048, 128>}, {transform_indices = @transform_2, window_bounds = array<i64: 2048, 1>}, {transform_indices = @transform_3, window_bounds = array<i64: 2048, 1>}, {pipeline_mode = #tpu.pipeline_mode<synchronous>, transform_indices = @transform_4, window_bounds = array<i64: 1, 16>}, {transform_indices = @transform_5, window_bounds = array<i64: 1>}, {transform_indices = @transform_6, window_bounds = array<i64: 2048>}]} {
    %get3A = arith.constant 0 : index
    %get3A_0 = arith.constant 0 : index
    %get3A_1 = vector.load %arg3[%get3A, %get3A_0] : memref<2048x1xi32, #tpu.memory_space<vmem>>, vector<2048x1xi32>
    %get3A_2 = arith.constant 0 : index
    %get3A_3 = arith.constant 0 : index
    %get3A_4 = vector.load %arg4[%get3A_2, %get3A_3] : memref<2048x1xi32, #tpu.memory_space<vmem>>, vector<2048x1xi32>
    %get3A_5 = arith.constant 0 : index
    %get3A_6 = arith.constant 0 : index
    %get3A_7 = vector.load %arg1[%get3A_5, %get3A_6] : memref<2048x128xf32, #tpu.memory_space<vmem>>, vector<2048x128xf32>
    %get3A_8 = arith.constant 0 : index
    %get3A_9 = arith.constant 0 : index
    %get3A_10 = vector.load %arg2[%get3A_8, %get3A_9] : memref<2048x128xf32, #tpu.memory_space<vmem>>, vector<2048x128xf32>
    %broadcast_in_dim3A = arith.constant 0.000000e+00 : f32
    %broadcast_in_dim3A_11 = vector.broadcast %broadcast_in_dim3A : f32 to vector<2048x16xf32>
    %eq3A = arith.constant 0 : i32
    %eq3A_12 = vector.broadcast %eq3A : i32 to vector<2048x1xi32>
    %eq3A_13 = arith.cmpi eq, %get3A_1, %eq3A_12 : vector<2048x1xi32>
    %slice3A = vector.extract_strided_slice %get3A_7 {offsets = [0, 0], sizes = [2048, 16], strides = [1, 1]} : vector<2048x128xf32> to vector<2048x16xf32>
    %jit3A = arith.constant 0.000000e+00 : f32
    %broadcast_in_dim3A_14 = vector.shape_cast %eq3A_13 : vector<2048x1xi1> to vector<2048x1xi1>
    %broadcast_in_dim3A_15 = vector.broadcast %broadcast_in_dim3A_14 : vector<2048x1xi1> to vector<2048x16xi1>
    %broadcast_in_dim3A_16 = vector.broadcast %jit3A : f32 to vector<2048x16xf32>
    %select_n3A = arith.select %broadcast_in_dim3A_15, %slice3A, %broadcast_in_dim3A_16 : vector<2048x16xi1>, vector<2048x16xf32>
    %add3A = arith.addf %broadcast_in_dim3A_11, %select_n3A : vector<2048x16xf32>
    %eq3A_17 = arith.constant 0 : i32
    %eq3A_18 = vector.broadcast %eq3A_17 : i32 to vector<2048x1xi32>
    %eq3A_19 = arith.cmpi eq, %get3A_4, %eq3A_18 : vector<2048x1xi32>
    %slice3A_20 = vector.extract_strided_slice %get3A_10 {offsets = [0, 0], sizes = [2048, 16], strides = [1, 1]} : vector<2048x128xf32> to vector<2048x16xf32>
    %jit3A_21 = arith.constant 0.000000e+00 : f32
    %broadcast_in_dim3A_22 = vector.shape_cast %eq3A_19 : vector<2048x1xi1> to vector<2048x1xi1>
    %broadcast_in_dim3A_23 = vector.broadcast %broadcast_in_dim3A_22 : vector<2048x1xi1> to vector<2048x16xi1>
    %broadcast_in_dim3A_24 = vector.broadcast %jit3A_21 : f32 to vector<2048x16xf32>
    %select_n3A_25 = arith.select %broadcast_in_dim3A_23, %slice3A_20, %broadcast_in_dim3A_24 : vector<2048x16xi1>, vector<2048x16xf32>
    %add3A_26 = arith.addf %add3A, %select_n3A_25 : vector<2048x16xf32>
    %eq3A_27 = arith.constant 1 : i32
    %eq3A_28 = vector.broadcast %eq3A_27 : i32 to vector<2048x1xi32>
    %eq3A_29 = arith.cmpi eq, %get3A_1, %eq3A_28 : vector<2048x1xi32>
    %slice3A_30 = vector.extract_strided_slice %get3A_7 {offsets = [0, 16], sizes = [2048, 16], strides = [1, 1]} : vector<2048x128xf32> to vector<2048x16xf32>
    %jit3A_31 = arith.constant 0.000000e+00 : f32
    %broadcast_in_dim3A_32 = vector.shape_cast %eq3A_29 : vector<2048x1xi1> to vector<2048x1xi1>
    %broadcast_in_dim3A_33 = vector.broadcast %broadcast_in_dim3A_32 : vector<2048x1xi1> to vector<2048x16xi1>
    %broadcast_in_dim3A_34 = vector.broadcast %jit3A_31 : f32 to vector<2048x16xf32>
    %select_n3A_35 = arith.select %broadcast_in_dim3A_33, %slice3A_30, %broadcast_in_dim3A_34 : vector<2048x16xi1>, vector<2048x16xf32>
    %add3A_36 = arith.addf %add3A_26, %select_n3A_35 : vector<2048x16xf32>
    %eq3A_37 = arith.constant 1 : i32
    %eq3A_38 = vector.broadcast %eq3A_37 : i32 to vector<2048x1xi32>
    %eq3A_39 = arith.cmpi eq, %get3A_4, %eq3A_38 : vector<2048x1xi32>
    %slice3A_40 = vector.extract_strided_slice %get3A_10 {offsets = [0, 16], sizes = [2048, 16], strides = [1, 1]} : vector<2048x128xf32> to vector<2048x16xf32>
    %jit3A_41 = arith.constant 0.000000e+00 : f32
    %broadcast_in_dim3A_42 = vector.shape_cast %eq3A_39 : vector<2048x1xi1> to vector<2048x1xi1>
    %broadcast_in_dim3A_43 = vector.broadcast %broadcast_in_dim3A_42 : vector<2048x1xi1> to vector<2048x16xi1>
    %broadcast_in_dim3A_44 = vector.broadcast %jit3A_41 : f32 to vector<2048x16xf32>
    %select_n3A_45 = arith.select %broadcast_in_dim3A_43, %slice3A_40, %broadcast_in_dim3A_44 : vector<2048x16xi1>, vector<2048x16xf32>
    %add3A_46 = arith.addf %add3A_36, %select_n3A_45 : vector<2048x16xf32>
    %eq3A_47 = arith.constant 2 : i32
    %eq3A_48 = vector.broadcast %eq3A_47 : i32 to vector<2048x1xi32>
    %eq3A_49 = arith.cmpi eq, %get3A_1, %eq3A_48 : vector<2048x1xi32>
    %slice3A_50 = vector.extract_strided_slice %get3A_7 {offsets = [0, 32], sizes = [2048, 16], strides = [1, 1]} : vector<2048x128xf32> to vector<2048x16xf32>
    %jit3A_51 = arith.constant 0.000000e+00 : f32
    %broadcast_in_dim3A_52 = vector.shape_cast %eq3A_49 : vector<2048x1xi1> to vector<2048x1xi1>
    %broadcast_in_dim3A_53 = vector.broadcast %broadcast_in_dim3A_52 : vector<2048x1xi1> to vector<2048x16xi1>
    %broadcast_in_dim3A_54 = vector.broadcast %jit3A_51 : f32 to vector<2048x16xf32>
    %select_n3A_55 = arith.select %broadcast_in_dim3A_53, %slice3A_50, %broadcast_in_dim3A_54 : vector<2048x16xi1>, vector<2048x16xf32>
    %add3A_56 = arith.addf %add3A_46, %select_n3A_55 : vector<2048x16xf32>
    %eq3A_57 = arith.constant 2 : i32
    %eq3A_58 = vector.broadcast %eq3A_57 : i32 to vector<2048x1xi32>
    %eq3A_59 = arith.cmpi eq, %get3A_4, %eq3A_58 : vector<2048x1xi32>
    %slice3A_60 = vector.extract_strided_slice %get3A_10 {offsets = [0, 32], sizes = [2048, 16], strides = [1, 1]} : vector<2048x128xf32> to vector<2048x16xf32>
    %jit3A_61 = arith.constant 0.000000e+00 : f32
    %broadcast_in_dim3A_62 = vector.shape_cast %eq3A_59 : vector<2048x1xi1> to vector<2048x1xi1>
    %broadcast_in_dim3A_63 = vector.broadcast %broadcast_in_dim3A_62 : vector<2048x1xi1> to vector<2048x16xi1>
    %broadcast_in_dim3A_64 = vector.broadcast %jit3A_61 : f32 to vector<2048x16xf32>
    %select_n3A_65 = arith.select %broadcast_in_dim3A_63, %slice3A_60, %broadcast_in_dim3A_64 : vector<2048x16xi1>, vector<2048x16xf32>
    %add3A_66 = arith.addf %add3A_56, %select_n3A_65 : vector<2048x16xf32>
    %eq3A_67 = arith.constant 3 : i32
    %eq3A_68 = vector.broadcast %eq3A_67 : i32 to vector<2048x1xi32>
    %eq3A_69 = arith.cmpi eq, %get3A_1, %eq3A_68 : vector<2048x1xi32>
    %slice3A_70 = vector.extract_strided_slice %get3A_7 {offsets = [0, 48], sizes = [2048, 16], strides = [1, 1]} : vector<2048x128xf32> to vector<2048x16xf32>
    %jit3A_71 = arith.constant 0.000000e+00 : f32
    %broadcast_in_dim3A_72 = vector.shape_cast %eq3A_69 : vector<2048x1xi1> to vector<2048x1xi1>
    %broadcast_in_dim3A_73 = vector.broadcast %broadcast_in_dim3A_72 : vector<2048x1xi1> to vector<2048x16xi1>
    %broadcast_in_dim3A_74 = vector.broadcast %jit3A_71 : f32 to vector<2048x16xf32>
    %select_n3A_75 = arith.select %broadcast_in_dim3A_73, %slice3A_70, %broadcast_in_dim3A_74 : vector<2048x16xi1>, vector<2048x16xf32>
    %add3A_76 = arith.addf %add3A_66, %select_n3A_75 : vector<2048x16xf32>
    %eq3A_77 = arith.constant 3 : i32
    %eq3A_78 = vector.broadcast %eq3A_77 : i32 to vector<2048x1xi32>
    %eq3A_79 = arith.cmpi eq, %get3A_4, %eq3A_78 : vector<2048x1xi32>
    %slice3A_80 = vector.extract_strided_slice %get3A_10 {offsets = [0, 48], sizes = [2048, 16], strides = [1, 1]} : vector<2048x128xf32> to vector<2048x16xf32>
    %jit3A_81 = arith.constant 0.000000e+00 : f32
    %broadcast_in_dim3A_82 = vector.shape_cast %eq3A_79 : vector<2048x1xi1> to vector<2048x1xi1>
    %broadcast_in_dim3A_83 = vector.broadcast %broadcast_in_dim3A_82 : vector<2048x1xi1> to vector<2048x16xi1>
    %broadcast_in_dim3A_84 = vector.broadcast %jit3A_81 : f32 to vector<2048x16xf32>
    %select_n3A_85 = arith.select %broadcast_in_dim3A_83, %slice3A_80, %broadcast_in_dim3A_84 : vector<2048x16xi1>, vector<2048x16xf32>
    %add3A_86 = arith.addf %add3A_76, %select_n3A_85 : vector<2048x16xf32>
    %eq3A_87 = arith.constant 4 : i32
    %eq3A_88 = vector.broadcast %eq3A_87 : i32 to vector<2048x1xi32>
    %eq3A_89 = arith.cmpi eq, %get3A_1, %eq3A_88 : vector<2048x1xi32>
    %slice3A_90 = vector.extract_strided_slice %get3A_7 {offsets = [0, 64], sizes = [2048, 16], strides = [1, 1]} : vector<2048x128xf32> to vector<2048x16xf32>
    %jit3A_91 = arith.constant 0.000000e+00 : f32
    %broadcast_in_dim3A_92 = vector.shape_cast %eq3A_89 : vector<2048x1xi1> to vector<2048x1xi1>
    %broadcast_in_dim3A_93 = vector.broadcast %broadcast_in_dim3A_92 : vector<2048x1xi1> to vector<2048x16xi1>
    %broadcast_in_dim3A_94 = vector.broadcast %jit3A_91 : f32 to vector<2048x16xf32>
    %select_n3A_95 = arith.select %broadcast_in_dim3A_93, %slice3A_90, %broadcast_in_dim3A_94 : vector<2048x16xi1>, vector<2048x16xf32>
    %add3A_96 = arith.addf %add3A_86, %select_n3A_95 : vector<2048x16xf32>
    %eq3A_97 = arith.constant 4 : i32
    %eq3A_98 = vector.broadcast %eq3A_97 : i32 to vector<2048x1xi32>
    %eq3A_99 = arith.cmpi eq, %get3A_4, %eq3A_98 : vector<2048x1xi32>
    %slice3A_100 = vector.extract_strided_slice %get3A_10 {offsets = [0, 64], sizes = [2048, 16], strides = [1, 1]} : vector<2048x128xf32> to vector<2048x16xf32>
    %jit3A_101 = arith.constant 0.000000e+00 : f32
    %broadcast_in_dim3A_102 = vector.shape_cast %eq3A_99 : vector<2048x1xi1> to vector<2048x1xi1>
    %broadcast_in_dim3A_103 = vector.broadcast %broadcast_in_dim3A_102 : vector<2048x1xi1> to vector<2048x16xi1>
    %broadcast_in_dim3A_104 = vector.broadcast %jit3A_101 : f32 to vector<2048x16xf32>
    %select_n3A_105 = arith.select %broadcast_in_dim3A_103, %slice3A_100, %broadcast_in_dim3A_104 : vector<2048x16xi1>, vector<2048x16xf32>
    %add3A_106 = arith.addf %add3A_96, %select_n3A_105 : vector<2048x16xf32>
    %eq3A_107 = arith.constant 5 : i32
    %eq3A_108 = vector.broadcast %eq3A_107 : i32 to vector<2048x1xi32>
    %eq3A_109 = arith.cmpi eq, %get3A_1, %eq3A_108 : vector<2048x1xi32>
    %slice3A_110 = vector.extract_strided_slice %get3A_7 {offsets = [0, 80], sizes = [2048, 16], strides = [1, 1]} : vector<2048x128xf32> to vector<2048x16xf32>
    %jit3A_111 = arith.constant 0.000000e+00 : f32
    %broadcast_in_dim3A_112 = vector.shape_cast %eq3A_109 : vector<2048x1xi1> to vector<2048x1xi1>
    %broadcast_in_dim3A_113 = vector.broadcast %broadcast_in_dim3A_112 : vector<2048x1xi1> to vector<2048x16xi1>
    %broadcast_in_dim3A_114 = vector.broadcast %jit3A_111 : f32 to vector<2048x16xf32>
    %select_n3A_115 = arith.select %broadcast_in_dim3A_113, %slice3A_110, %broadcast_in_dim3A_114 : vector<2048x16xi1>, vector<2048x16xf32>
    %add3A_116 = arith.addf %add3A_106, %select_n3A_115 : vector<2048x16xf32>
    %eq3A_117 = arith.constant 5 : i32
    %eq3A_118 = vector.broadcast %eq3A_117 : i32 to vector<2048x1xi32>
    %eq3A_119 = arith.cmpi eq, %get3A_4, %eq3A_118 : vector<2048x1xi32>
    %slice3A_120 = vector.extract_strided_slice %get3A_10 {offsets = [0, 80], sizes = [2048, 16], strides = [1, 1]} : vector<2048x128xf32> to vector<2048x16xf32>
    %jit3A_121 = arith.constant 0.000000e+00 : f32
    %broadcast_in_dim3A_122 = vector.shape_cast %eq3A_119 : vector<2048x1xi1> to vector<2048x1xi1>
    %broadcast_in_dim3A_123 = vector.broadcast %broadcast_in_dim3A_122 : vector<2048x1xi1> to vector<2048x16xi1>
    %broadcast_in_dim3A_124 = vector.broadcast %jit3A_121 : f32 to vector<2048x16xf32>
    %select_n3A_125 = arith.select %broadcast_in_dim3A_123, %slice3A_120, %broadcast_in_dim3A_124 : vector<2048x16xi1>, vector<2048x16xf32>
    %add3A_126 = arith.addf %add3A_116, %select_n3A_125 : vector<2048x16xf32>
    %eq3A_127 = arith.constant 6 : i32
    %eq3A_128 = vector.broadcast %eq3A_127 : i32 to vector<2048x1xi32>
    %eq3A_129 = arith.cmpi eq, %get3A_1, %eq3A_128 : vector<2048x1xi32>
    %slice3A_130 = vector.extract_strided_slice %get3A_7 {offsets = [0, 96], sizes = [2048, 16], strides = [1, 1]} : vector<2048x128xf32> to vector<2048x16xf32>
    %jit3A_131 = arith.constant 0.000000e+00 : f32
    %broadcast_in_dim3A_132 = vector.shape_cast %eq3A_129 : vector<2048x1xi1> to vector<2048x1xi1>
    %broadcast_in_dim3A_133 = vector.broadcast %broadcast_in_dim3A_132 : vector<2048x1xi1> to vector<2048x16xi1>
    %broadcast_in_dim3A_134 = vector.broadcast %jit3A_131 : f32 to vector<2048x16xf32>
    %select_n3A_135 = arith.select %broadcast_in_dim3A_133, %slice3A_130, %broadcast_in_dim3A_134 : vector<2048x16xi1>, vector<2048x16xf32>
    %add3A_136 = arith.addf %add3A_126, %select_n3A_135 : vector<2048x16xf32>
    %eq3A_137 = arith.constant 6 : i32
    %eq3A_138 = vector.broadcast %eq3A_137 : i32 to vector<2048x1xi32>
    %eq3A_139 = arith.cmpi eq, %get3A_4, %eq3A_138 : vector<2048x1xi32>
    %slice3A_140 = vector.extract_strided_slice %get3A_10 {offsets = [0, 96], sizes = [2048, 16], strides = [1, 1]} : vector<2048x128xf32> to vector<2048x16xf32>
    %jit3A_141 = arith.constant 0.000000e+00 : f32
    %broadcast_in_dim3A_142 = vector.shape_cast %eq3A_139 : vector<2048x1xi1> to vector<2048x1xi1>
    %broadcast_in_dim3A_143 = vector.broadcast %broadcast_in_dim3A_142 : vector<2048x1xi1> to vector<2048x16xi1>
    %broadcast_in_dim3A_144 = vector.broadcast %jit3A_141 : f32 to vector<2048x16xf32>
    %select_n3A_145 = arith.select %broadcast_in_dim3A_143, %slice3A_140, %broadcast_in_dim3A_144 : vector<2048x16xi1>, vector<2048x16xf32>
    %add3A_146 = arith.addf %add3A_136, %select_n3A_145 : vector<2048x16xf32>
    %eq3A_147 = arith.constant 7 : i32
    %eq3A_148 = vector.broadcast %eq3A_147 : i32 to vector<2048x1xi32>
    %eq3A_149 = arith.cmpi eq, %get3A_1, %eq3A_148 : vector<2048x1xi32>
    %slice3A_150 = vector.extract_strided_slice %get3A_7 {offsets = [0, 112], sizes = [2048, 16], strides = [1, 1]} : vector<2048x128xf32> to vector<2048x16xf32>
    %jit3A_151 = arith.constant 0.000000e+00 : f32
    %broadcast_in_dim3A_152 = vector.shape_cast %eq3A_149 : vector<2048x1xi1> to vector<2048x1xi1>
    %broadcast_in_dim3A_153 = vector.broadcast %broadcast_in_dim3A_152 : vector<2048x1xi1> to vector<2048x16xi1>
    %broadcast_in_dim3A_154 = vector.broadcast %jit3A_151 : f32 to vector<2048x16xf32>
    %select_n3A_155 = arith.select %broadcast_in_dim3A_153, %slice3A_150, %broadcast_in_dim3A_154 : vector<2048x16xi1>, vector<2048x16xf32>
    %add3A_156 = arith.addf %add3A_146, %select_n3A_155 : vector<2048x16xf32>
    %eq3A_157 = arith.constant 7 : i32
    %eq3A_158 = vector.broadcast %eq3A_157 : i32 to vector<2048x1xi32>
    %eq3A_159 = arith.cmpi eq, %get3A_4, %eq3A_158 : vector<2048x1xi32>
    %slice3A_160 = vector.extract_strided_slice %get3A_10 {offsets = [0, 112], sizes = [2048, 16], strides = [1, 1]} : vector<2048x128xf32> to vector<2048x16xf32>
    %jit3A_161 = arith.constant 0.000000e+00 : f32
    %broadcast_in_dim3A_162 = vector.shape_cast %eq3A_159 : vector<2048x1xi1> to vector<2048x1xi1>
    %broadcast_in_dim3A_163 = vector.broadcast %broadcast_in_dim3A_162 : vector<2048x1xi1> to vector<2048x16xi1>
    %broadcast_in_dim3A_164 = vector.broadcast %jit3A_161 : f32 to vector<2048x16xf32>
    %select_n3A_165 = arith.select %broadcast_in_dim3A_163, %slice3A_160, %broadcast_in_dim3A_164 : vector<2048x16xi1>, vector<2048x16xf32>
    %add3A_166 = arith.addf %add3A_156, %select_n3A_165 : vector<2048x16xf32>
    %max3A = arith.constant 0.000000e+00 : f32
    %max3A_167 = vector.broadcast %max3A : f32 to vector<2048x16xf32>
    %max3A_168 = arith.maximumf %add3A_166, %max3A_167 : vector<2048x16xf32>
    %get3A_169 = arith.constant 0 : index
    %get3A_170 = arith.constant 0 : index
    %get3A_171 = vector.load %arg5[%get3A_169, %get3A_170] : memref<1x16xf32, #tpu.memory_space<vmem>>, vector<1x16xf32>
    %mul3A = vector.broadcast %get3A_171 : vector<1x16xf32> to vector<2048x16xf32>
    %mul3A_172 = arith.mulf %max3A_168, %mul3A : vector<2048x16xf32>
    %reduce_sum3A = arith.constant dense<0.000000e+00> : vector<2048xf32>
    %reduce_sum3A_173 = vector.multi_reduction <add>, %mul3A_172, %reduce_sum3A [1] : vector<2048x16xf32> to vector<2048xf32>
    %get3A_174 = arith.constant 0 : index
    %get3A_175 = memref.load %arg6[%get3A_174] : memref<1xf32, #tpu.memory_space<smem>>
    %add3A_176 = vector.broadcast %get3A_175 : f32 to vector<2048xf32>
    %add3A_177 = arith.addf %reduce_sum3A_173, %add3A_176 : vector<2048xf32>
    %neg3A = arith.constant 0.000000e+00 : f32
    %neg3A_178 = vector.broadcast %neg3A : f32 to vector<2048xf32>
    %neg3A_179 = arith.subf %neg3A_178, %add3A_177 : vector<2048xf32>
    %exp3A = math.exp %neg3A_179 : vector<2048xf32>
    %add3A_180 = arith.constant 1.000000e+00 : f32
    %add3A_181 = vector.broadcast %add3A_180 : f32 to vector<2048xf32>
    %add3A_182 = arith.addf %add3A_181, %exp3A : vector<2048xf32>
    %div3A = arith.constant 1.000000e+00 : f32
    %div3A_183 = vector.broadcast %div3A : f32 to vector<2048xf32>
    %div3A_184 = arith.divf %div3A_183, %add3A_182 : vector<2048xf32>
    %swap3A = arith.constant 0 : index
    %swap3A_185 = vector.load %arg7[%swap3A] : memref<2048xf32, #tpu.memory_space<vmem>>, vector<2048xf32>
    tpu.vector_store %arg7[%swap3A], %div3A_184 {strides = array<i32>} : memref<2048xf32, #tpu.memory_space<vmem>>, vector<2048xf32>,
    return
  }
  func.func @transform_0(%arg0: i32) -> (i32, i32) {
    %c0_i32 = arith.constant 0 : i32
    %c0_i32_0 = arith.constant 0 : i32
    return %arg0, %c0_i32 : i32, i32
  }
  func.func @transform_1(%arg0: i32) -> (i32, i32) {
    %c0_i32 = arith.constant 0 : i32
    %c0_i32_0 = arith.constant 0 : i32
    return %arg0, %c0_i32 : i32, i32
  }
  func.func @transform_2(%arg0: i32) -> (i32, i32) {
    %c0_i32 = arith.constant 0 : i32
    %c0_i32_0 = arith.constant 0 : i32
    return %arg0, %c0_i32 : i32, i32
  }
  func.func @transform_3(%arg0: i32) -> (i32, i32) {
    %c0_i32 = arith.constant 0 : i32
    %c0_i32_0 = arith.constant 0 : i32
    return %arg0, %c0_i32 : i32, i32
  }
  func.func @transform_4(%arg0: i32) -> (i32, i32) {
    %c0_i32 = arith.constant 0 : i32
    %c0_i32_0 = arith.constant 0 : i32
    %c0_i32_1 = arith.constant 0 : i32
    return %c0_i32, %c0_i32_0 : i32, i32
  }
  func.func @transform_5(%arg0: i32) -> i32 {
    %c0_i32 = arith.constant 0 : i32
    %c0_i32_0 = arith.constant 0 : i32
    return %c0_i32 : i32
  }
  func.func @transform_6(%arg0: i32) -> i32 {
    %c0_i32 = arith.constant 0 : i32
    return %arg0 : i32
  }
}

</mosaic_0001>

<sc_bundles>
// kernel: kernel.5.cloned.1.call-start
scs
__scs_entry_jumppad:
0x0: {  	(pc) =	sbr.rel $0x88, $3  }
0x1: {  	(tag) =	ssettag $0x0;
	lr =	simm.s32 $0x1  }
0x2: {  	[smem:$0x3F9B] =	sst lr;
	_ =	strace $0xD0000000  }
0x3: {  	_ = 	snop  }
0x4: {  	_ = 	snop  }
0x5: {  	_ = 	snop  }
0x6: {  	_ = 	snop  }
0x7: {  	_ = 	snop  }
__scs_overlays_trampoline_lowered:
0x8: {  	[smem:$0x3FAA] =	sst s0  }
0x9: {  	[smem:$0x3FAB] =	sst s1  }
0xa: {  	[smem:$0x3FAC] =	sst s2  }
0xb: {  	[smem:$0x3FAD] =	sst s3  }
0xc: {  	[smem:$0x3FAE] =	sst s4  }
0xd: {  	[smem:$0x3FAF] =	sst s5  }
0xe: {  	[smem:$0x3FB0] =	sst s6  }
0xf: {  	[smem:$0x3FB1] =	sst s7  }
0x10: {  	[smem:$0x3FB2] =	sst s8  }
0x11: {  	[smem:$0x3FB3] =	sst s9;
	s0 =	simm.s32 @!p0 $0x0  }
0x12: {  	s1 =	sld [smem:$0x3F99];
	s0 =	simm.s32 @p0 $0x1  }
0x13: {  	[smem:$0x3FB4] =	sst s0;
	s0 =	simm.s32 @!p1 $0x0  }
0x14: {  	s2 =	sld [smem:$0x3F98];
	s0 =	simm.s32 @p1 $0x1  }
0x15: {  	[smem:$0x3FB5] =	sst s0;
	s0 =	simm.s32 @!p2 $0x0  }
0x16: {  	s3 =	sld [smem:$0x3FDB];
	s0 =	simm.s32 @p2 $0x1  }
0x17: {  	s4 =	simm.s32 $0x1BF5;
	[smem:$0x3FB7] =	sst s0  }
0x18: {  	s0 =	sld [smem:$0x3F9A];
	_ =	swait.ge [sflag:s4], $0x0  }
0x19: {  	s7 =	sld [smem:$0x3F9B]  }
0x1a: {  	s8 =	sadd.s32 $0xFFFFE003, lr  }
0x1b: {  	s9 =	sadd.s32 $0xFFFFFEF7, lr;
	s5 =	simm.s32 $0xFFFFFFFF;
	p2 =	slt.u32 s8, $0xFFFFF086  }
0x1c: {  	p1 =	slt.u32 s9, $0xF7A;
	s5 =	simm.s32 @!p2 $0x0  }
0x1d: {  	s5 =	simm.s32 @p1 $0x1;
	p0 =	seq.s32 s7, s2  }
0x1e: {  	s7 =	smul.u32 @!p0 $0xF7A, s2;
	p2 =	seq.s32 @!p0 s5, $0x0  }
0x1f: {  	s9 =	smul.u32 $0xF7A, s1;
	s8 =	simm.s32 @!p0 $0x1BF5;
	p2 =	por !p2, p0  }
0x20: {  	[sflag:s8] =	ssyncset.s32 @!p0 $0xFFFFF086;
	s6 =	sadd.s32 @!p0 s3, s7;
	s7 =	simm.s32 @!p0 $0x108  }
0x21: {  	s3 =	sadd.s32 s3, s9;
	s6 =	sadd.s32 @!p0 $0x88, s6;
	s7 =	simm.s32 @p2 $0x1082  }
0x22: {  	[simem:s7], [sflag:s8] =	dma.local @!p0 [hbm:s6], $0xF7A  }
0x23: {  	s9 =	sor.u32 $0xD0000000, s2;
	s6 =	simm.s32 $0x108;
	_ =	swait.ge @!p0 [sflag:s8], $0x0  }
0x24: {  	s3 =	sadd.s32 $0x88, s3;
	s6 =	simm.s32 @!p1 $0x1082;
	[sflag:s4] =	ssyncset.s32 $0xFFFFF086  }
0x25: {  	[simem:s6], [sflag:s4] =	dma.local [hbm:s3], $0xF7A  }
0x26: {  	[smem:$0x3F9B] =	sst s1;
	(tag) =	ssettag s2;
	_ =	strace s9  }
0x27: {  	s1 =	sld [smem:$0x3FAB]  }
0x28: {  	s2 =	sld [smem:$0x3FAC]  }
0x29: {  	s4 =	sld [smem:$0x3FAE]  }
0x2a: {  	p0 =	seq.s32 s5, $0x0;
	s5 =	sld [smem:$0x3FAF]  }
0x2b: {  	s6 =	sld [smem:$0x3FB0]  }
0x2c: {  	s7 =	sld [smem:$0x3FB1]  }
0x2d: {  	s3 =	simm.s32 $0x108;
	s8 =	sld [smem:$0x3FB2]  }
0x2e: {  	s3 =	simm.s32 @!p0 $0x1082;
	s9 =	sld [smem:$0x3FB3]  }
0x2f: {  	lr =	sadd.s32 s0, s3;
	s0 =	sld [smem:$0x3FAA]  }
0x30: {  	s3 =	sld [smem:$0x3FAD]  }
0x31: {  	[smem:$0x3FB6] =	sst s10  }
0x32: {  	s10 =	sld [smem:$0x3FB4];
	_ =	sdelay $0x3  }
0x33: {  	p0 =	seq.s32 s10, $0x1;
	s10 =	sld [smem:$0x3FB6];
	_ =	sdelay $0x3  }
0x34: {  	[smem:$0x3FB6] =	sst s10  }
0x35: {  	s10 =	sld [smem:$0x3FB5];
	_ =	sdelay $0x3  }
0x36: {  	p1 =	seq.s32 s10, $0x1;
	s10 =	sld [smem:$0x3FB6];
	_ =	sdelay $0x3  }
0x37: {  	[smem:$0x3FB6] =	sst s10  }
0x38: {  	s10 =	sld [smem:$0x3FB7]  }
0x39: {  	_ = 	snop;
	(pc) =	sbr.ind lr, $3  }
0x3a: {  	_ = 	snop  }
0x3b: {  	_ = 	snop  }
0x3c: {  	p2 =	seq.s32 s10, $0x1;
	s10 =	sld [smem:$0x3FB6]  }
0x3d: {  	_ =	shalt  }
0x3e: {  	_ =	shalt  }
0x3f: {  	_ =	shalt  }
0x40: {  	_ =	shalt  }
0x41: {  	_ =	shalt  }
0x42: {  	_ =	shalt  }
0x43: {  	_ =	shalt  }
0x44: {  	_ =	shalt  }
0x45: {  	_ =	shalt  }
0x46: {  	_ =	shalt  }
0x47: {  	_ =	shalt  }
0x48: {  	_ =	shalt  }
0x49: {  	_ =	shalt  }
0x4a: {  	_ =	shalt  }
0x4b: {  	_ =	shalt  }
0x4c: {  	_ =	shalt  }
0x4d: {  	_ =	shalt  }
0x4e: {  	_ =	shalt  }
0x4f: {  	_ =	shalt  }
0x50: {  	_ =	shalt  }
0x51: {  	_ =	shalt  }
0x52: {  	_ =	shalt  }
0x53: {  	_ =	shalt  }
0x54: {  	_ =	shalt  }
0x55: {  	_ =	shalt  }
0x56: {  	_ =	shalt  }
0x57: {  	_ =	shalt  }
0x58: {  	_ =	shalt  }
0x59: {  	_ =	shalt  }
0x5a: {  	_ =	shalt  }
0x5b: {  	_ =	shalt  }
0x5c: {  	_ =	shalt  }
0x5d: {  	_ =	shalt  }
0x5e: {  	_ =	shalt  }
0x5f: {  	_ =	shalt  }
0x60: {  	_ =	shalt  }
0x61: {  	_ =	shalt  }
0x62: {  	_ =	shalt  }
0x63: {  	_ =	shalt  }
0x64: {  	_ =	shalt  }
0x65: {  	_ =	shalt  }
0x66: {  	_ =	shalt  }
0x67: {  	_ =	shalt  }
0x68: {  	_ =	shalt  }
0x69: {  	_ =	shalt  }
0x6a: {  	_ =	shalt  }
0x6b: {  	_ =	shalt  }
0x6c: {  	_ =	shalt  }
0x6d: {  	_ =	shalt  }
0x6e: {  	_ =	shalt  }
0x6f: {  	_ =	shalt  }
0x70: {  	_ =	shalt  }
0x71: {  	_ =	shalt  }
0x72: {  	_ =	shalt  }
0x73: {  	_ =	shalt  }
0x74: {  	_ =	shalt  }
0x75: {  	_ =	shalt  }
0x76: {  	_ =	shalt  }
0x77: {  	_ =	shalt  }
0x78: {  	_ =	shalt  }
0x79: {  	_ =	shalt  }
0x7a: {  	_ =	shalt  }
0x7b: {  	_ =	shalt  }
0x7c: {  	_ =	shalt  }
0x7d: {  	_ =	shalt  }
0x7e: {  	_ =	shalt  }
0x7f: {  	_ =	shalt  }
0x80: {  	_ =	shalt  }
0x81: {  	_ =	shalt  }
0x82: {  	_ =	shalt  }
0x83: {  	_ =	shalt  }
0x84: {  	_ =	shalt  }
0x85: {  	_ =	shalt  }
0x86: {  	_ =	shalt  }
0x87: {  	_ =	shalt  }
.Lfunc_end0:
.L_simem_size_0:
called_computation_lowered:
.L_overlay_start_0:
0x88: {  	s2 =	sld [smem:$0x3FD9]  }
0x89: {  	s3 =	sld [smem:$0x3FFE];
	_ =	sdelay $0x1  }
0x8a: {  	s1 =	srdreg.scid  }
0x8b: {  	s0 =	sand.u32 $0x1, s1  }
0x8c: {  	s17 =	sshll.u32 s0, $0xA;
	s2 =	sadd.s32 s3, s2  }
0x8d: {  	s2 =	sadd.s32 s2, s17  }
0x8e: {  	[smem:$0x3FC2] =	sst s2  }
0x8f: {  	_ = 	snop  }
0x90: {  	s2 =	sld [smem:$0x3FD0];
	(tm) =	ssettm $0x1  }
0x91: {  	s18 =	sld [smem:$0x3FFB];
	_ =	sdelay $0x3  }
0x92: {  	_ =	strace s18  }
0x93: {  	s3 =	sld [smem:$0x3FFC];
	_ =	sdelay $0x3  }
0x94: {  	_ =	strace s3  }
0x95: {  	s3 =	sld [smem:$0x3FFD];
	_ =	sdelay $0x3  }
0x96: {  	_ =	strace s3  }
0x97: {  	_ =	strace $0x8FFFFFFF  }
0x98: {  	s19 =	sld [smem:$0x3FDB];
	_ =	sdelay $0x1  }
0x99: {  	s4 =	simm.s32 $_scs_section_size  }
0x9a: {  	s5 =	simm.s32 $_size__tile_overlayer_lowered;
	s6 =	simm.s32 $_tile_overlayer_lowered  }
0x9b: {  	s22 =	simm.s32 $0x1BFF;
	s21 =	sshll.u32 s6, $0x1;
	s3 =	sadd.s32 s4, s19  }
0x9c: {  	s7 =	simm.s32 $0x0;
	s20 =	sshll.u32 s5, $0x1;
	s5 =	sadd.s32 s21, s3  }
0x9d: {  	[timem:s7], [sflag:s22] =	dma.local [hbm:s5], s20  }
0x9e: {  	_ =	swait.ge [sflag:s22], s20  }
0x9f: {  	s4 =	ssub.s32 $0x0, s20;
	[sflag:s22] =	ssyncset.done $0x0  }
0xa0: {  	[sflag:s22] =	ssyncadd.s32 s4;
	_ =	sdelay $0x1  }
0xa1: {  	s23 =	simm.s32 $0x1B8B  }
0xa2: {  	_ =	swait.ge [sflag:s23], $0x1  }
0xa3: {  	[sflag:s23] =	ssyncset.done $0x0  }
0xa4: {  	s25 =	simm.s32 $0x1B8E;
	s24 =	sld [smem:$0x3FFE];
	[sflag:s23] =	ssyncadd.s32 $0xFFFFFFFF  }
0xa5: {  	s26 =	simm.s32 $execute0_lowered;
	[smem:$0x3FD2] =	sst s25  }
0xa6: {  	s5 =	sshll.u32 s26, $0x1;
	_ =	strace $0x80000046;
	[dreg:$0x1] =	wrdreg $0xFFFFFFFF  }
0xa7: {  	s28 =	simm.s32 $_size_execute0_lowered;
	s3 =	sadd.s32 s3, s5;
	[dreg:$0x0] =	wrdreg $0x0  }
0xa8: {  	s5 =	sshll.u32 s28, $0x1;
	[dreg:$0x2] =	wrdreg s3  }
0xa9: {  	[dreg:$0x3] =	wrdreg s5  }
0xaa: {  	[dreg:$0x4] =	wrdreg $0xC0  }
0xab: {  	_ =	task [dreg:s7], $0x5FFFF  }
0xac: {  	[dreg:$0x1] =	wrdreg $0xFFFFFFFF  }
0xad: {  	[dreg:$0x0] =	wrdreg $0x60  }
0xae: {  	[dreg:$0x2] =	wrdreg s2  }
0xaf: {  	[dreg:$0x3] =	wrdreg s24  }
0xb0: {  	[dreg:$0x4] =	wrdreg $0x9  }
0xb1: {  	_ =	task.clear_ibuf [dreg:s7], $0x5FFFF;
	_ =	strace $0x90000046  }
0xb2: {  	s29 =	simm.s32 $0x9;
	_ =	strace $0x80000048  }
0xb3: {  	_ =	swait.ge [sflag:s29], $0x1  }
0xb4: {  	[sflag:s29] =	ssyncadd.s32 $0xFFFFFFFF  }
0xb5: {  	_ =	strace $0x90000048  }
0xb6: {  	_ =	sfence  }
0xb7: {  	s30 =	sld [smem:$0x0];
	_ =	sdelay $0x2  }
0xb8: {  	s31 =	sshll.u32 s1, $0xD;
	s1 =	sshrl.u32 s1, $0x2  }
0xb9: {  	s3 =	sand.u32 $0x4000, s31;
	s1 =	sadd.s32 s1, s30  }
0xba: {  	s0 =	sor.u32 s3, s0;
	s1 =	sshll.u32 s1, $0x11  }
0xbb: {  	s0 =	sor.u32 s1, s0  }
0xbc: {  	s0 =	sadd.s32 $0x8F2B, s0  }
0xbd: {  	[sflag:s0] =	ssyncadd.remote.s32 $0x1  }
0xbe: {  	_ =	sfence.sel $0xFFFF  }
0xbf: {  	[dreg:$0x0] =	wrdreg $0xFFFFFFFF;
	(pc) =	sbr.abs _section_cstart, $3  }
0xc0: {  	[dreg:$0x1] =	wrdreg $0xFFFFFFFF  }
0xc1: {  	_ =	task.clear_ibuf [dreg:s7], $0x2FFFF;
	_ =	strace $0x9FFFFFFF  }
0xc2: {  	(tm) =	ssettm $0x7FFFFFFF  }
0xc3: {  	_ =	shalt  }
tec
execute0_lowered:
.L_overlay_start_1:
0x0: {  	(tag) =	ssettag $0x1  }
0x1: {  	s1 =	rddreg [dreg:$0x0]  }
0x2: {  	s12 =	rddreg [dreg:$0x1];
	s0 =	srdreg.scid  }
0x3: {  	s5 =	stileid.u32;
	s2 =	simm.s32 $0x0;
	s0 =	sand.u32 $0x1, s0  }
0x4: {  	s3 =	sshll.u32 s5, $0x7;
	[smem:$0x7FF] =	sst s2;
	s4 =	sshll.u32 s0, $0x6  }
0x5: {  	s7 =	sshll.u32 s5, $0xE;
	s8 =	sshll.u32 s0, $0xD;
	s3 =	sor.u32 s4, s3  }
0x6: {  	s30 =	sadd.s32 $0x3E2200, s12;
	s31 =	sor.u32 s8, s7;
	s1 =	sadd.s32 s1, s3  }
0x7: {  	_ =	strace $0x80000047;
	s10 =	sadd.s32 s30, s31;
	[dreg:$0x3] =	wrdreg s1  }
0x8: {  	s4 =	sadd.s32 s3, s12;
	[dreg:$0x5] =	wrdreg s10  }
0x9: {  	s6 =	sadd.s32 $0x1A00, s4;
	s9 =	rddreg [dreg:$0x3]  }
0xa: {  	[dreg:$0x4] =	wrdreg s6  }
0xb: {  	[tilespmem:s2], [sflag:$0x1] =	stream.linear.gather [hbm4b:s9+s2], $0x200, $0x38;
	[tilespmem:$0x10400] =	vst v63  }
0xc: {  	s3 =	simm.s32 $0x200;
	s4 =	simm.s32 $0x1;
	s6 =	rddreg [dreg:$0x4]  }
0xd: {  	[tilespmem:s3], [sflag:$0x2] =	stream.linear.gather [hbm4b:s6+s2], $0x200, $0x38;
	[tilespmem:$0x10400] =	vst v63  }
0xe: {  	_ =	swait.ge [sflag:s4], $0x200  }
0xf: {  	[sflag:s4] =	ssyncset.done $0x0  }
0x10: {  	s5 =	simm.s32 $0x2;
	[sflag:s4] =	ssyncadd.s32 $0xFFFFFE00  }
0x11: {  	_ =	swait.ge [sflag:s5], $0x200  }
0x12: {  	s7 =	simm.s32 $0x80;
	[sflag:s5] =	ssyncset.done $0x0  }
0x13: {  	s8 =	simm.s32 $0x400;
	s6 =	sadd.s32 $0x2200, s12;
	[sflag:s5] =	ssyncadd.s32 $0xFFFFFE00  }
0x14: {  	[tilespmem:s8], [sflag:$0x1] =	stream.indirect.gather [hbm4b:s6+s7], $0x80, s2, s7, $0xb8;
	[tilespmem:$0x10400] =	vst v63  }
0x15: {  	s10 =	simm.s32 $0x4400;
	s9 =	sadd.s32 $0x1F2200, s12  }
0x16: {  	[tilespmem:s10], [sflag:$0x2] =	stream.indirect.gather [hbm4b:s9+s7], $0x80, s3, s7, $0xb8;
	[tilespmem:$0x10400] =	vst v63  }
0x17: {  	_ =	swait.ge [sflag:s4], $0x4000  }
0x18: {  	[sflag:s4] =	ssyncset.done $0x0  }
0x19: {  	s11 =	rddreg [dreg:$0x5];
	[sflag:s4] =	ssyncadd.s32 $0xFFFFC000  }
0x1a: {  	[hbm4b:s11+s2] =	stream.linear.scatter [tilespmem:s8], [sflag:$0x5], $0x4000, $0x38;
	[tilespmem:$0x10400] =	vst v63  }
0x1b: {  	s11 =	simm.s32 $0x8400  }
0x1c: {  	[tilespmem:s11], [sflag:$0x3] =	stream.indirect.gather [hbm4b:s6+s7], $0x80, s7, s7, $0xb8;
	[tilespmem:$0x10400] =	vst v63  }
0x1d: {  	_ =	swait.ge [sflag:s5], $0x4000  }
0x1e: {  	s1 =	sadd.s32 $0x422200, s12;
	[sflag:s5] =	ssyncset.done $0x0  }
0x1f: {  	s12 =	sadd.s32 s1, s31;
	[sflag:s5] =	ssyncadd.s32 $0xFFFFC000  }
0x20: {  	[hbm4b:s12+s2] =	stream.linear.scatter [tilespmem:s10], [sflag:$0x6], $0x4000, $0x38;
	[tilespmem:$0x10400] =	vst v63  }
0x21: {  	s13 =	simm.s32 $0x280;
	s14 =	simm.s32 $0xC400;
	s15 =	simm.s32 $0x3  }
0x22: {  	[tilespmem:s14], [sflag:$0x4] =	stream.indirect.gather [hbm4b:s9+s7], $0x80, s13, s7, $0xb8;
	[tilespmem:$0x10400] =	vst v63  }
0x23: {  	_ =	swait.ge [sflag:s15], $0x4000  }
0x24: {  	s20 =	sor.u32 $0x800, s31;
	[sflag:s15] =	ssyncset.done $0x0  }
0x25: {  	s17 =	simm.s32 $0x5;
	s16 =	sadd.s32 s30, s20;
	[sflag:s15] =	ssyncadd.s32 $0xFFFFC000  }
0x26: {  	[hbm4b:s16+s2] =	stream.linear.scatter [tilespmem:s11], [sflag:$0x7], $0x4000, $0x38;
	[tilespmem:$0x10400] =	vst v63  }
0x27: {  	_ =	swait.ge [sflag:s17], $0x4000  }
0x28: {  	[sflag:s17] =	ssyncset.done $0x0  }
0x29: {  	s18 =	simm.s32 $0x100;
	s19 =	simm.s32 $0x4;
	[sflag:s17] =	ssyncadd.s32 $0xFFFFC000  }
0x2a: {  	[tilespmem:s8], [sflag:$0x1] =	stream.indirect.gather [hbm4b:s6+s7], $0x80, s18, s7, $0xb8;
	[tilespmem:$0x10400] =	vst v63  }
0x2b: {  	_ =	swait.ge [sflag:s19], $0x4000  }
0x2c: {  	[sflag:s19] =	ssyncset.done $0x0  }
0x2d: {  	s21 =	simm.s32 $0x6;
	s20 =	sadd.s32 s1, s20;
	[sflag:s19] =	ssyncadd.s32 $0xFFFFC000  }
0x2e: {  	[hbm4b:s20+s2] =	stream.linear.scatter [tilespmem:s14], [sflag:$0x8], $0x4000, $0x38;
	[tilespmem:$0x10400] =	vst v63  }
0x2f: {  	_ =	swait.ge [sflag:s21], $0x4000  }
0x30: {  	[sflag:s21] =	ssyncset.done $0x0  }
0x31: {  	s22 =	simm.s32 $0x300;
	[sflag:s21] =	ssyncadd.s32 $0xFFFFC000  }
0x32: {  	[tilespmem:s10], [sflag:$0x2] =	stream.indirect.gather [hbm4b:s9+s7], $0x80, s22, s7, $0xb8;
	[tilespmem:$0x10400] =	vst v63  }
0x33: {  	_ =	swait.ge [sflag:s4], $0x4000  }
0x34: {  	s26 =	sor.u32 $0x1000, s31;
	[sflag:s4] =	ssyncset.done $0x0  }
0x35: {  	s24 =	simm.s32 $0x7;
	s23 =	sadd.s32 s30, s26;
	[sflag:s4] =	ssyncadd.s32 $0xFFFFC000  }
0x36: {  	[hbm4b:s23+s2] =	stream.linear.scatter [tilespmem:s8], [sflag:$0x5], $0x4000, $0x38;
	[tilespmem:$0x10400] =	vst v63  }
0x37: {  	_ =	swait.ge [sflag:s24], $0x4000  }
0x38: {  	[sflag:s24] =	ssyncset.done $0x0  }
0x39: {  	s25 =	simm.s32 $0x180;
	[sflag:s24] =	ssyncadd.s32 $0xFFFFC000  }
0x3a: {  	[tilespmem:s11], [sflag:$0x3] =	stream.indirect.gather [hbm4b:s6+s7], $0x80, s25, s7, $0xb8;
	[tilespmem:$0x10400] =	vst v63  }
0x3b: {  	_ =	swait.ge [sflag:s5], $0x4000  }
0x3c: {  	[sflag:s5] =	ssyncset.done $0x0  }
0x3d: {  	s28 =	simm.s32 $0x8;
	s26 =	sadd.s32 s1, s26;
	[sflag:s5] =	ssyncadd.s32 $0xFFFFC000  }
0x3e: {  	[hbm4b:s26+s2] =	stream.linear.scatter [tilespmem:s10], [sflag:$0x6], $0x4000, $0x38;
	[tilespmem:$0x10400] =	vst v63  }
0x3f: {  	_ =	swait.ge [sflag:s28], $0x4000  }
0x40: {  	[sflag:s28] =	ssyncset.done $0x0  }
0x41: {  	s29 =	simm.s32 $0x380;
	[sflag:s28] =	ssyncadd.s32 $0xFFFFC000  }
0x42: {  	[tilespmem:s14], [sflag:$0x4] =	stream.indirect.gather [hbm4b:s9+s7], $0x80, s29, s7, $0xb8;
	[tilespmem:$0x10400] =	vst v63  }
0x43: {  	_ =	swait.ge [sflag:s15], $0x4000  }
0x44: {  	s31 =	sor.u32 $0x1800, s31;
	[sflag:s15] =	ssyncset.done $0x0  }
0x45: {  	s30 =	sadd.s32 s30, s31;
	[sflag:s15] =	ssyncadd.s32 $0xFFFFC000  }
0x46: {  	[hbm4b:s30+s2] =	stream.linear.scatter [tilespmem:s11], [sflag:$0x7], $0x4000, $0x38;
	[tilespmem:$0x10400] =	vst v63  }
0x47: {  	_ =	swait.ge [sflag:s19], $0x4000  }
0x48: {  	[sflag:s19] =	ssyncset.done $0x0  }
0x49: {  	s31 =	sadd.s32 s1, s31;
	[sflag:s19] =	ssyncadd.s32 $0xFFFFC000  }
0x4a: {  	[hbm4b:s31+s2] =	stream.linear.scatter [tilespmem:s14], [sflag:$0x8], $0x4000, $0x38;
	[tilespmem:$0x10400] =	vst v63  }
0x4b: {  	s0 =	ssub.s32 $0x2, s0;
	_ =	swait.ge [sflag:s17], $0x4000  }
0x4c: {  	s13 =	sshrl.u32 s0, $0x1;
	[sflag:s17] =	ssyncset.done $0x0  }
0x4d: {  	s0 =	ssub.s32 s0, s13;
	[sflag:s17] =	ssyncadd.s32 $0xFFFFC000  }
0x4e: {  	s0 =	smax.u32 s0, $0x1;
	_ =	swait.ge [sflag:s21], $0x4000  }
0x4f: {  	p0 =	sne.s32 s0, $0x1;
	[sflag:s21] =	ssyncset.done $0x0  }
.Ltmp0:
0x50: {  	[sflag:s21] =	ssyncadd.s32 $0xFFFFC000;
	(pc) =	sbr.rel @!p0 .LBB2_2-.Ltmp0, $4  }
0x51: {  	_ =	swait.ge [sflag:s24], $0x4000  }
0x52: {  	[sflag:s24] =	ssyncset.done $0x0  }
0x53: {  	[sflag:s24] =	ssyncadd.s32 $0xFFFFC000  }
0x54: {  	s0 =	sadd.s32 $0xFFFFFFFF, s0;
	_ =	swait.ge [sflag:s28], $0x4000  }
.LBB2_1:
0x55: {  	[sflag:s28] =	ssyncset.done $0x0  }
0x56: {  	s1 =	rddreg [dreg:$0x3];
	[sflag:s28] =	ssyncadd.s32 $0xFFFFC000  }
0x57: {  	[tilespmem:s2], [sflag:$0x1] =	stream.linear.gather [hbm4b:s1+s2], $0x200, $0x38;
	[tilespmem:$0x10400] =	vst v63  }
0x58: {  	s13 =	rddreg [dreg:$0x4]  }
0x59: {  	[tilespmem:s3], [sflag:$0x2] =	stream.linear.gather [hbm4b:s13+s2], $0x200, $0x38;
	[tilespmem:$0x10400] =	vst v63  }
0x5a: {  	_ =	swait.ge [sflag:s4], $0x200  }
0x5b: {  	[sflag:s4] =	ssyncset.done $0x0  }
0x5c: {  	[sflag:s4] =	ssyncadd.s32 $0xFFFFFE00  }
0x5d: {  	_ =	swait.ge [sflag:s5], $0x200  }
0x5e: {  	[sflag:s5] =	ssyncset.done $0x0  }
0x5f: {  	[sflag:s5] =	ssyncadd.s32 $0xFFFFFE00  }
0x60: {  	[tilespmem:s8], [sflag:$0x1] =	stream.indirect.gather [hbm4b:s6+s7], $0x80, s2, s7, $0xb8;
	[tilespmem:$0x10400] =	vst v63  }
0x61: {  	_ = 	snop  }
0x62: {  	[tilespmem:s10], [sflag:$0x2] =	stream.indirect.gather [hbm4b:s9+s7], $0x80, s3, s7, $0xb8;
	[tilespmem:$0x10400] =	vst v63  }
0x63: {  	_ =	swait.ge [sflag:s4], $0x4000  }
0x64: {  	[sflag:s4] =	ssyncset.done $0x0  }
0x65: {  	s13 =	rddreg [dreg:$0x5];
	[sflag:s4] =	ssyncadd.s32 $0xFFFFC000  }
0x66: {  	[hbm4b:s13+s2] =	stream.linear.scatter [tilespmem:s8], [sflag:$0x5], $0x4000, $0x38;
	[tilespmem:$0x10400] =	vst v63  }
0x67: {  	_ = 	snop  }
0x68: {  	[tilespmem:s11], [sflag:$0x3] =	stream.indirect.gather [hbm4b:s6+s7], $0x80, s7, s7, $0xb8;
	[tilespmem:$0x10400] =	vst v63  }
0x69: {  	_ =	swait.ge [sflag:s5], $0x4000  }
0x6a: {  	[sflag:s5] =	ssyncset.done $0x0  }
0x6b: {  	[sflag:s5] =	ssyncadd.s32 $0xFFFFC000  }
0x6c: {  	[hbm4b:s12+s2] =	stream.linear.scatter [tilespmem:s10], [sflag:$0x6], $0x4000, $0x38;
	[tilespmem:$0x10400] =	vst v63  }
0x6d: {  	s13 =	simm.s32 $0x280  }
0x6e: {  	[tilespmem:s14], [sflag:$0x4] =	stream.indirect.gather [hbm4b:s9+s7], $0x80, s13, s7, $0xb8;
	[tilespmem:$0x10400] =	vst v63  }
0x6f: {  	_ =	swait.ge [sflag:s15], $0x4000  }
0x70: {  	[sflag:s15] =	ssyncset.done $0x0  }
0x71: {  	[sflag:s15] =	ssyncadd.s32 $0xFFFFC000  }
0x72: {  	[hbm4b:s16+s2] =	stream.linear.scatter [tilespmem:s11], [sflag:$0x7], $0x4000, $0x38;
	[tilespmem:$0x10400] =	vst v63  }
0x73: {  	_ =	swait.ge [sflag:s17], $0x4000  }
0x74: {  	[sflag:s17] =	ssyncset.done $0x0  }
0x75: {  	[sflag:s17] =	ssyncadd.s32 $0xFFFFC000  }
0x76: {  	[tilespmem:s8], [sflag:$0x1] =	stream.indirect.gather [hbm4b:s6+s7], $0x80, s18, s7, $0xb8;
	[tilespmem:$0x10400] =	vst v63  }
0x77: {  	_ =	swait.ge [sflag:s19], $0x4000  }
0x78: {  	[sflag:s19] =	ssyncset.done $0x0  }
0x79: {  	[sflag:s19] =	ssyncadd.s32 $0xFFFFC000  }
0x7a: {  	[hbm4b:s20+s2] =	stream.linear.scatter [tilespmem:s14], [sflag:$0x8], $0x4000, $0x38;
	[tilespmem:$0x10400] =	vst v63  }
0x7b: {  	_ =	swait.ge [sflag:s21], $0x4000  }
0x7c: {  	[sflag:s21] =	ssyncset.done $0x0  }
0x7d: {  	[sflag:s21] =	ssyncadd.s32 $0xFFFFC000  }
0x7e: {  	[tilespmem:s10], [sflag:$0x2] =	stream.indirect.gather [hbm4b:s9+s7], $0x80, s22, s7, $0xb8;
	[tilespmem:$0x10400] =	vst v63  }
0x7f: {  	_ =	swait.ge [sflag:s4], $0x4000  }
0x80: {  	[sflag:s4] =	ssyncset.done $0x0  }
0x81: {  	[sflag:s4] =	ssyncadd.s32 $0xFFFFC000  }
0x82: {  	[hbm4b:s23+s2] =	stream.linear.scatter [tilespmem:s8], [sflag:$0x5], $0x4000, $0x38;
	[tilespmem:$0x10400] =	vst v63  }
0x83: {  	_ =	swait.ge [sflag:s24], $0x4000  }
0x84: {  	[sflag:s24] =	ssyncset.done $0x0  }
0x85: {  	[sflag:s24] =	ssyncadd.s32 $0xFFFFC000  }
0x86: {  	[tilespmem:s11], [sflag:$0x3] =	stream.indirect.gather [hbm4b:s6+s7], $0x80, s25, s7, $0xb8;
	[tilespmem:$0x10400] =	vst v63  }
0x87: {  	_ =	swait.ge [sflag:s5], $0x4000  }
0x88: {  	[sflag:s5] =	ssyncset.done $0x0  }
0x89: {  	[sflag:s5] =	ssyncadd.s32 $0xFFFFC000  }
0x8a: {  	[hbm4b:s26+s2] =	stream.linear.scatter [tilespmem:s10], [sflag:$0x6], $0x4000, $0x38;
	[tilespmem:$0x10400] =	vst v63  }
0x8b: {  	_ =	swait.ge [sflag:s28], $0x4000  }
0x8c: {  	[sflag:s28] =	ssyncset.done $0x0  }
0x8d: {  	[sflag:s28] =	ssyncadd.s32 $0xFFFFC000  }
0x8e: {  	[tilespmem:s14], [sflag:$0x4] =	stream.indirect.gather [hbm4b:s9+s7], $0x80, s29, s7, $0xb8;
	[tilespmem:$0x10400] =	vst v63  }
0x8f: {  	_ =	swait.ge [sflag:s15], $0x4000  }
0x90: {  	[sflag:s15] =	ssyncset.done $0x0  }
0x91: {  	[sflag:s15] =	ssyncadd.s32 $0xFFFFC000  }
0x92: {  	[hbm4b:s30+s2] =	stream.linear.scatter [tilespmem:s11], [sflag:$0x7], $0x4000, $0x38;
	[tilespmem:$0x10400] =	vst v63  }
0x93: {  	_ =	swait.ge [sflag:s19], $0x4000  }
0x94: {  	[sflag:s19] =	ssyncset.done $0x0  }
0x95: {  	[sflag:s19] =	ssyncadd.s32 $0xFFFFC000  }
0x96: {  	[hbm4b:s31+s2] =	stream.linear.scatter [tilespmem:s14], [sflag:$0x8], $0x4000, $0x38;
	[tilespmem:$0x10400] =	vst v63  }
0x97: {  	_ =	swait.ge [sflag:s17], $0x4000  }
0x98: {  	[sflag:s17] =	ssyncset.done $0x0  }
0x99: {  	[sflag:s17] =	ssyncadd.s32 $0xFFFFC000  }
0x9a: {  	_ =	swait.ge [sflag:s21], $0x4000  }
0x9b: {  	p0 =	sne.s32 s0, $0x1;
	[sflag:s21] =	ssyncset.done $0x0  }
.Ltmp1:
0x9c: {  	[sflag:s21] =	ssyncadd.s32 $0xFFFFC000;
	(pc) =	sbr.rel @p0 .LBB2_1-.Ltmp1, $4  }
0x9d: {  	_ =	swait.ge [sflag:s24], $0x4000  }
0x9e: {  	[sflag:s24] =	ssyncset.done $0x0  }
0x9f: {  	[sflag:s24] =	ssyncadd.s32 $0xFFFFC000  }
0xa0: {  	s0 =	sadd.s32 $0xFFFFFFFF, s0;
	_ =	swait.ge [sflag:s28], $0x4000  }
.LBB2_2:
0xa1: {  	[sflag:s28] =	ssyncset.done $0x0  }
0xa2: {  	[sflag:s28] =	ssyncadd.s32 $0xFFFFC000  }
0xa3: {  	_ =	sfence.sel $0x180000  }
0xa4: {  	[bflag:$0x0] =	sbarrier.arrive $0xFFFF  }
0xa5: {  	_ =	strace $0x90000047  }
0xa6: {  	s0 =	stileid.u32;
	[bflag:$0x2] =	sbarrier.arrive $0xFFFF  }
0xa7: {  	p0 =	sne.s32 s0, $0x0;
	s0 =	rddreg [dreg:$0x2]  }
0xa8: {  	s0 =	sadd.s32 @!p0 $0x100000, s0  }
0xa9: {  	[sflag:s0] =	ssyncadd.tile.s32 @!p0 $0x1;
	_ =	shalt  }
.Lfunc_end2:
_tile_overlayer_lowered:
.L_overlay_start_2:
0xaa: {  	(tag) =	ssettag $0x2  }
0xab: {  	s0 =	rddreg [dreg:$0x0];
	s2 =	stileid.u32  }
0xac: {  	s1 =	rddreg [dreg:$0x1];
	p0 =	sne.s32 s2, $0x0  }
0xad: {  	s3 =	rddreg [dreg:$0x2];
	[bflag:$0x3] =	sbarrier.arrive $0xFFFF;
	s2 =	simm.s32 @!p0 $0x1C09  }
0xae: {  	[timem:s3], [sflag:s2] =	dma.local @!p0 [hbm:s0], s1  }
0xaf: {  	s0 =	simm.s32 @!p0 $0x9  }
0xb0: {  	_ =	swait.ge @!p0 [sflag:s0], s1  }
0xb1: {  	s1 =	ssub.s32 @!p0 $0x0, s1;
	[sflag:s0] =	ssyncset.done @!p0 $0x0  }
0xb2: {  	[sflag:s0] =	ssyncadd.s32 @!p0 s1  }
0xb3: {  	[bflag:$0x3] =	sbarrier.arrive $0xFFFF  }
0xb4: {  	_ =	shalt  }

</sc_bundles>
